<compile_context>
chip_gen: v7x
topology: tpu7x:2x2x1
jax: 0.10.2.dev20260603
libtpu: 0.0.44.dev20260713+nightly
codegen_flags: <defaults>
</compile_context>

<pallas_src>
import dataclasses
import functools

import jax
import jax.numpy as jnp
from jax import lax
from jax.experimental import pallas as pl
from jax.experimental.pallas import tpu as pltpu
from jax.experimental.pallas import tpu_sc as plsc

N = 10000
E = 320000
D = 128
K_RANK = 1000

NC = 2
NS = 16
NW = NC * NS
PER_TILE = E // NW
P1_ITERS = PER_TILE // 16
CH2 = 64
CMP_CAP = PER_TILE + CH2
NRING = 2
NPAD = 10112
ROWS_PER_SUB = NPAD // NS



def _sc_scatter_build():
    mesh = plsc.VectorSubcoreMesh(core_axis_name="c", subcore_axis_name="s")
    cp = pltpu.CompilerParams()
    if "needs_layout_passes" in pltpu.CompilerParams.__dataclass_fields__:
        cp = dataclasses.replace(cp, needs_layout_passes=False)

    @functools.partial(
        pl.kernel,
        out_type=jax.ShapeDtypeStruct((NC, NPAD, D), jnp.float32),
        mesh=mesh,
        compiler_params=cp,
        scratch_types=(
            [pltpu.VMEM((CMP_CAP,), jnp.int32),
             pltpu.VMEM((CMP_CAP,), jnp.int32),
             pltpu.VMEM((N,), jnp.int32)]
            + [pltpu.VMEM((CH2,), jnp.int32) for _ in range(2 * NRING)]
            + [pltpu.VMEM((CH2, D), jnp.float32) for _ in range(NRING)]
            + [pltpu.VMEM_SHARED((NPAD, D), jnp.float32)]
            + [pltpu.SemaphoreType.DMA for _ in range(3 + 2 * NRING)]
        ),
    )
    def sc_kernel(h_hbm, edge_hbm, rank_hbm, zeros_hbm, out_hbm,
                  rows_buf, cols_buf, rank_buf, *rest):
        row_sc = rest[0:2 * NRING:2]
        col_sc = rest[1:2 * NRING:2]
        gath = rest[2 * NRING:3 * NRING]
        acc = rest[3 * NRING]
        sems = rest[3 * NRING + 1:]
        sem_e0, sem_e1, sem_m = sems[0:3]
        sem_g = sems[3:3 + NRING]
        sem_s = sems[3 + NRING:]

        c = lax.axis_index("c")
        s = lax.axis_index("s")
        wid = c * NS + s
        ebase = pl.multiple_of(wid * PER_TILE, 8)
        rbase = pl.multiple_of(s * ROWS_PER_SUB, 8)

        scope = jax.named_scope
        cp_r = pltpu.async_copy(edge_hbm.at[pl.ds(ebase, PER_TILE)],
                                rows_buf.at[pl.ds(0, PER_TILE)], sem_e0)
        cp_c = pltpu.async_copy(edge_hbm.at[pl.ds(E + ebase, PER_TILE)],
                                cols_buf.at[pl.ds(0, PER_TILE)], sem_e1)
        cp_m = pltpu.async_copy(rank_hbm, rank_buf, sem_m)
        pltpu.sync_copy(zeros_hbm, acc.at[pl.ds(rbase, ROWS_PER_SUB)])
        with scope("stage_wait"):
            cp_r.wait()
            cp_c.wait()
            cp_m.wait()

        def p1_group(g, off):
            col16 = cols_buf[pl.ds(pl.multiple_of(g * 16, 16), 16)]
            row16 = rows_buf[pl.ds(pl.multiple_of(g * 16, 16), 16)]
            rk = plsc.load_gather(rank_buf, [col16])
            m = rk <= K_RANK
            mi = m.astype(jnp.int32)
            dst = off + plsc.cumsum(mi) - 1
            plsc.store_scatter(cols_buf, [dst], col16, mask=m)
            plsc.store_scatter(rows_buf, [dst], row16, mask=m)
            return off + jnp.sum(mi)

        def p1(i, off):
            off = p1_group(2 * i, off)
            return p1_group(2 * i + 1, off)

        with scope("compact"):
            off = lax.fori_loop(0, P1_ITERS // 2, p1, jnp.int32(0))
            off = p1_group(P1_ITERS - 1, off)

        iota16 = lax.iota(jnp.int32, 16)
        dummy_r = N + iota16
        zero_c = jnp.zeros((16,), jnp.int32)
        ones = jnp.full((16,), True)
        for t in range(CH2 // 16):
            dst = off + t * 16 + iota16
            plsc.store_scatter(cols_buf, [dst], zero_c, mask=ones)
            plsc.store_scatter(rows_buf, [dst], dummy_r, mask=ones)
        nbat = (off + CH2 - 1) // CH2

        with scope("barrier1"):
            plsc.subcore_barrier()

        scope3 = jax.named_scope("gather_scatter")
        scope3.__enter__()

        @pl.loop(0, nbat, step=NRING)
        def _(k0):
            for b in range(NRING):
                @pl.when(k0 + b < nbat)
                def _():
                    @pl.when(k0 > 0)
                    def _():
                        pltpu.make_async_copy(
                            gath[b], acc.at[row_sc[b]], sem_s[b]).wait()
                    kb = pl.multiple_of((k0 + b) * CH2, CH2)
                    for i in range(CH2 // 16):
                        col_sc[b][pl.ds(i * 16, 16)] = (
                            cols_buf[pl.ds(kb + i * 16, 16)])
                        row_sc[b][pl.ds(i * 16, 16)] = (
                            rows_buf[pl.ds(kb + i * 16, 16)])
                    pltpu.async_copy(h_hbm.at[col_sc[b]], gath[b], sem_g[b])
            for b in range(NRING):
                @pl.when(k0 + b < nbat)
                def _():
                    pltpu.make_async_copy(h_hbm.at[col_sc[b]], gath[b],
                                          sem_g[b]).wait()
                    pltpu.async_copy(gath[b], acc.at[row_sc[b]], sem_s[b],
                                     add=True)

        scope3.__exit__(None, None, None)
        scope2 = jax.named_scope("drain")
        scope2.__enter__()
        for b in range(NRING):
            @pl.when(nbat > b)
            def _():
                pltpu.make_async_copy(gath[b], acc.at[row_sc[b]],
                                      sem_s[b]).wait()

        scope2.__exit__(None, None, None)
        with scope("barrier2"):
            plsc.subcore_barrier()
        with scope("writeback"):
            pltpu.sync_copy(acc.at[pl.ds(rbase, ROWS_PER_SUB)],
                            out_hbm.at[c, pl.ds(rbase, ROWS_PER_SUB)])

    return sc_kernel


_sc_scatter = _sc_scatter_build()



def _linear_mask_body(x_ref, nr_ref, w_ref, b_ref, o_ref):
    h = lax.dot_general(
        x_ref[...], w_ref[...],
        dimension_numbers=(((1,), (1,)), ((), ())),
        preferred_element_type=jnp.float32,
    )
    h = h + b_ref[...]
    m = (nr_ref[...] <= K_RANK).astype(jnp.float32)
    o_ref[...] = h * m


def _linear_mask(x, nr_col, W, b_row):
    return pl.pallas_call(
        _linear_mask_body,
        out_shape=jax.ShapeDtypeStruct((N, D), jnp.float32),
    )(x, nr_col, W, b_row)



def _combine_body(p_ref, o_ref):
    o_ref[...] = p_ref[0] + p_ref[1]


def _combine(partial):
    blk = 2000
    return pl.pallas_call(
        _combine_body,
        grid=(N // blk,),
        in_specs=[pl.BlockSpec((NC, blk, D), lambda i: (0, i, 0))],
        out_specs=pl.BlockSpec((blk, D), lambda i: (i, 0)),
        out_shape=jax.ShapeDtypeStruct((N, D), jnp.float32),
    )(partial)



def kernel(x, edge_index, node_rankings, W, b):
    zeros = jnp.zeros((ROWS_PER_SUB, D), jnp.float32)
    nr_col = node_rankings.reshape(N, 1)
    b_row = b.reshape(1, D)

    h = _linear_mask(x, nr_col, W, b_row)
    partial = _sc_scatter(h, edge_index.reshape(2 * E),
                          node_rankings.reshape(N), zeros)
    return _combine(partial)

# --- scband reference (transcript-rebuilt; emitter-appended) ---
"""Pipeline reference for scband-adjacency-control-81793357185324 (READ-ONLY COPY).

The authoritative reference and input builder live on the scoring server;
editing this copy changes nothing except your own understanding.
"""

import jax, jax.numpy as jnp
import numpy as np

N = 10000
E = 320000
D = 128
K = 1000
NODE_STAT = 0


def setup_inputs(seed: int = 0) -> dict:
    key = jax.random.key(seed)
    k1, k2, k3, k4, k5 = jax.random.split(key, 5)
    x = jax.random.normal(k1, (N, D), dtype=jnp.float32)
    edge_index = jax.random.randint(k2, (2, E), 0, N, dtype=jnp.int32)
    node_rankings = jax.random.randint(k3, (1, N), 0, N, dtype=jnp.int32)
    # nn.Linear(feature_dim, feature_dim) parameters
    W = jax.random.normal(k4, (D, D), dtype=jnp.float32) * (1.0 / np.sqrt(D))
    b = jax.random.normal(k5, (D,), dtype=jnp.float32) * 0.01
    return {"x": x, "edge_index": edge_index, "node_rankings": node_rankings, "W": W, "b": b}


def reference(x, edge_index, node_rankings, W, b):
    # x = self.linear(x)
    h = x @ W.T + b
    # A = to_torch_coo_tensor(edge_index): A[row, col] = 1
    # node_mask = node_rankings[node_stat] <= k  (broadcast over columns of A)
    mask = (node_rankings[NODE_STAT] <= K).astype(h.dtype)  # [N]
    row = edge_index[0]
    col = edge_index[1]
    # B = A * node_mask ; x = B @ h  => out[i] = sum_{(i,j) in E} mask[j] * h[j]
    msgs = h[col] * mask[col][:, None]  # gather per-edge source features
    out = jax.ops.segment_sum(msgs, row, num_segments=N)  # scatter-add to dst
    return out

if __name__ == "__main__":
    import jax
    _d = setup_inputs()
    print(jax.jit(kernel)(*tuple(_d.values())))

</pallas_src>

<mosaic_0001>
#map = affine_map<(d0, d1) -> (0, 0)>
#map1 = affine_map<(d0, d1) -> (0)>
#map2 = affine_map<(d0, d1) -> (0, 0, 0)>
module attributes {stable_mosaic.version = 14 : i64} {
  func.func @sc_kernel(%arg0: i32, %arg1: i32, %arg2: memref<10000x128xf32, #tpu.memory_space<hbm>>, %arg3: memref<640000xi32, #tpu.memory_space<hbm>>, %arg4: memref<10000xi32, #tpu.memory_space<hbm>>, %arg5: memref<632x128xf32, #tpu.memory_space<hbm>>, %arg6: memref<2x10112x128xf32, #tpu.memory_space<hbm>>, %arg7: memref<10064xi32, #tpu.memory_space<vmem>>, %arg8: memref<10064xi32, #tpu.memory_space<vmem>>, %arg9: memref<10000xi32, #tpu.memory_space<vmem>>, %arg10: memref<64xi32, #tpu.memory_space<vmem>>, %arg11: memref<64xi32, #tpu.memory_space<vmem>>, %arg12: memref<64xi32, #tpu.memory_space<vmem>>, %arg13: memref<64xi32, #tpu.memory_space<vmem>>, %arg14: memref<64x128xf32, #tpu.memory_space<vmem>>, %arg15: memref<64x128xf32, #tpu.memory_space<vmem>>, %arg16: memref<10112x128xf32, #tpu.memory_space<vmem_shared>>, %arg17: memref<!tpu.dma_semaphore, #tpu.memory_space<semaphore_mem>>, %arg18: memref<!tpu.dma_semaphore, #tpu.memory_space<semaphore_mem>>, %arg19: memref<!tpu.dma_semaphore, #tpu.memory_space<semaphore_mem>>, %arg20: memref<!tpu.dma_semaphore, #tpu.memory_space<semaphore_mem>>, %arg21: memref<!tpu.dma_semaphore, #tpu.memory_space<semaphore_mem>>, %arg22: memref<!tpu.dma_semaphore, #tpu.memory_space<semaphore_mem>>, %arg23: memref<!tpu.dma_semaphore, #tpu.memory_space<semaphore_mem>>) attributes {dimension_semantics = [#tpu.dimension_semantics<core_parallel>, #tpu.dimension_semantics<subcore_parallel>], iteration_bounds = array<i64: 2, 16>, scalar_prefetch = 0 : i64, scratch_operands = 17 : i64, tpu.core_type = #tpu.core_type<sc_vector_subcore>, window_params = [{transform_indices = #map}, {transform_indices = #map1}, {transform_indices = #map1}, {transform_indices = #map}, {transform_indices = #map2}]} {
    %mul3A = arith.constant 16 : i32
    %mul3A_0 = arith.muli %arg0, %mul3A : i32
    %add3A = arith.addi %mul3A_0, %arg1 : i32
    %mul3A_1 = arith.constant 10000 : i32
    %mul3A_2 = arith.muli %add3A, %mul3A_1 : i32
    %multiple_of3A = tpu.assume_multiple %mul3A_2, 8 : i32
    %mul3A_3 = arith.constant 632 : i32
    %mul3A_4 = arith.muli %arg1, %mul3A_3 : i32
    %multiple_of3A_5 = tpu.assume_multiple %mul3A_4, 8 : i32
    %dma_start3A = arith.constant 0 : i32
    %dma_start3A_6 = tpu.memref_slice %arg7[%dma_start3A] : memref<10064xi32, #tpu.memory_space<vmem>> -> memref<10000xi32, #tpu.memory_space<vmem>>
    %dma_start3A_7 = tpu.memref_slice %arg3[%multiple_of3A] : memref<640000xi32, #tpu.memory_space<hbm>> -> memref<10000xi32, #tpu.memory_space<hbm>>
    %dma_start3A_8 = arith.constant 0 : i32
    %dma_start3A_9 = tpu.memref_slice %arg7[%dma_start3A_8] : memref<10064xi32, #tpu.memory_space<vmem>> -> memref<10000xi32, #tpu.memory_space<vmem>>
    %dma_start3A_10 = tpu.memref_slice %arg3[%multiple_of3A] : memref<640000xi32, #tpu.memory_space<hbm>> -> memref<10000xi32, #tpu.memory_space<hbm>>
    tpu.enqueue_dma source(%dma_start3A_10 : memref<10000xi32, #tpu.memory_space<hbm>>) target(%dma_start3A_9 : memref<10000xi32, #tpu.memory_space<vmem>>) target_semaphore(%arg17 : memref<!tpu.dma_semaphore, #tpu.memory_space<semaphore_mem>>)
    %add3A_11 = arith.constant 320000 : i32
    %add3A_12 = arith.addi %add3A_11, %multiple_of3A : i32
    %dma_start3A_13 = arith.constant 0 : i32
    %dma_start3A_14 = tpu.memref_slice %arg8[%dma_start3A_13] : memref<10064xi32, #tpu.memory_space<vmem>> -> memref<10000xi32, #tpu.memory_space<vmem>>
    %dma_start3A_15 = tpu.memref_slice %arg3[%add3A_12] : memref<640000xi32, #tpu.memory_space<hbm>> -> memref<10000xi32, #tpu.memory_space<hbm>>
    %dma_start3A_16 = arith.constant 0 : i32
    %dma_start3A_17 = tpu.memref_slice %arg8[%dma_start3A_16] : memref<10064xi32, #tpu.memory_space<vmem>> -> memref<10000xi32, #tpu.memory_space<vmem>>
    %dma_start3A_18 = tpu.memref_slice %arg3[%add3A_12] : memref<640000xi32, #tpu.memory_space<hbm>> -> memref<10000xi32, #tpu.memory_space<hbm>>
    tpu.enqueue_dma source(%dma_start3A_18 : memref<10000xi32, #tpu.memory_space<hbm>>) target(%dma_start3A_17 : memref<10000xi32, #tpu.memory_space<vmem>>) target_semaphore(%arg18 : memref<!tpu.dma_semaphore, #tpu.memory_space<semaphore_mem>>)
    tpu.enqueue_dma source(%arg4 : memref<10000xi32, #tpu.memory_space<hbm>>) target(%arg9 : memref<10000xi32, #tpu.memory_space<vmem>>) target_semaphore(%arg19 : memref<!tpu.dma_semaphore, #tpu.memory_space<semaphore_mem>>)
    "tpu.region"() ({
      %run_scoped3A = tpu.sem_alloc : memref<!tpu.dma_semaphore, #tpu.memory_space<semaphore_mem>>
      %dma_start3A_125 = arith.constant 0 : i32
      %dma_start3A_126 = tpu.memref_slice %arg16[%multiple_of3A_5, %dma_start3A_125] : memref<10112x128xf32, #tpu.memory_space<vmem_shared>> -> memref<632x128xf32, #tpu.memory_space<vmem_shared>>
      tpu.enqueue_dma source(%arg5 : memref<632x128xf32, #tpu.memory_space<hbm>>) target(%dma_start3A_126 : memref<632x128xf32, #tpu.memory_space<vmem_shared>>) target_semaphore(%run_scoped3A : memref<!tpu.dma_semaphore, #tpu.memory_space<semaphore_mem>>)
      %dma_wait3A_127 = arith.constant 0 : i32
      %dma_wait3A_128 = tpu.memref_slice %arg16[%multiple_of3A_5, %dma_wait3A_127] : memref<10112x128xf32, #tpu.memory_space<vmem_shared>> -> memref<632x128xf32, #tpu.memory_space<vmem_shared>>
      tpu.wait_dma2 semaphore(%run_scoped3A : memref<!tpu.dma_semaphore, #tpu.memory_space<semaphore_mem>>) src(%arg5 : memref<632x128xf32, #tpu.memory_space<hbm>>) dst(%dma_wait3A_128 : memref<632x128xf32, #tpu.memory_space<vmem_shared>>)
      tpu.yield
    }) : () -> ()
    "tpu.trace_start"() <{level = 10 : i32, message = "stage_wait"}> : () -> ()
    %dma_wait3A = arith.constant 0 : i32
    %dma_wait3A_19 = tpu.memref_slice %arg7[%dma_wait3A] : memref<10064xi32, #tpu.memory_space<vmem>> -> memref<10000xi32, #tpu.memory_space<vmem>>
    %dma_wait3A_20 = tpu.memref_slice %arg3[%multiple_of3A] : memref<640000xi32, #tpu.memory_space<hbm>> -> memref<10000xi32, #tpu.memory_space<hbm>>
    %dma_wait3A_21 = arith.constant 0 : i32
    %dma_wait3A_22 = tpu.memref_slice %arg7[%dma_wait3A_21] : memref<10064xi32, #tpu.memory_space<vmem>> -> memref<10000xi32, #tpu.memory_space<vmem>>
    %dma_wait3A_23 = tpu.memref_slice %arg3[%multiple_of3A] : memref<640000xi32, #tpu.memory_space<hbm>> -> memref<10000xi32, #tpu.memory_space<hbm>>
    tpu.wait_dma2 semaphore(%arg17 : memref<!tpu.dma_semaphore, #tpu.memory_space<semaphore_mem>>) src(%dma_wait3A_23 : memref<10000xi32, #tpu.memory_space<hbm>>) dst(%dma_wait3A_22 : memref<10000xi32, #tpu.memory_space<vmem>>)
    %dma_wait3A_24 = arith.constant 0 : i32
    %dma_wait3A_25 = tpu.memref_slice %arg8[%dma_wait3A_24] : memref<10064xi32, #tpu.memory_space<vmem>> -> memref<10000xi32, #tpu.memory_space<vmem>>
    %dma_wait3A_26 = tpu.memref_slice %arg3[%add3A_12] : memref<640000xi32, #tpu.memory_space<hbm>> -> memref<10000xi32, #tpu.memory_space<hbm>>
    %dma_wait3A_27 = arith.constant 0 : i32
    %dma_wait3A_28 = tpu.memref_slice %arg8[%dma_wait3A_27] : memref<10064xi32, #tpu.memory_space<vmem>> -> memref<10000xi32, #tpu.memory_space<vmem>>
    %dma_wait3A_29 = tpu.memref_slice %arg3[%add3A_12] : memref<640000xi32, #tpu.memory_space<hbm>> -> memref<10000xi32, #tpu.memory_space<hbm>>
    tpu.wait_dma2 semaphore(%arg18 : memref<!tpu.dma_semaphore, #tpu.memory_space<semaphore_mem>>) src(%dma_wait3A_29 : memref<10000xi32, #tpu.memory_space<hbm>>) dst(%dma_wait3A_28 : memref<10000xi32, #tpu.memory_space<vmem>>)
    tpu.wait_dma2 semaphore(%arg19 : memref<!tpu.dma_semaphore, #tpu.memory_space<semaphore_mem>>) src(%arg4 : memref<10000xi32, #tpu.memory_space<hbm>>) dst(%arg9 : memref<10000xi32, #tpu.memory_space<vmem>>)
    "tpu.trace_stop"() : () -> ()
    "tpu.trace_start"() <{level = 10 : i32, message = "compact"}> : () -> ()
    %scan3A = arith.constant 0 : i32
    %scan3A_30 = arith.constant 0 : i32
    %scan3A_31 = arith.constant 312 : i32
    %scan3A_32 = arith.addi %scan3A_30, %scan3A_31 : i32
    %scan3A_33 = arith.constant 1 : i32
    %scan3A_34 = scf.for %scan3A_125 = %scan3A_30 to %scan3A_32 step %scan3A_33 iter_args(%scan3A_126 = %scan3A) -> (i32)  : i32 {
      %mul3A_127 = arith.constant 2 : i32
      %mul3A_128 = arith.muli %mul3A_127, %scan3A_125 : i32
      %mul3A_129 = arith.constant 16 : i32
      %mul3A_130 = arith.muli %mul3A_128, %mul3A_129 : i32
      %multiple_of3A_131 = tpu.assume_multiple %mul3A_130, 16 : i32
      %get3A_132 = arith.index_cast %multiple_of3A_131 : i32 to index
      %get3A_133 = tpu.vector_load %arg8[%get3A_132] {strides = array<i32>} : memref<10064xi32, #tpu.memory_space<vmem>>, vector<16xi32>,
      %mul3A_134 = arith.constant 16 : i32
      %mul3A_135 = arith.muli %mul3A_128, %mul3A_134 : i32
      %multiple_of3A_136 = tpu.assume_multiple %mul3A_135, 16 : i32
      %get3A_137 = arith.index_cast %multiple_of3A_136 : i32 to index
      %get3A_138 = tpu.vector_load %arg7[%get3A_137] {strides = array<i32>} : memref<10064xi32, #tpu.memory_space<vmem>>, vector<16xi32>,
      %gather3A_139 = tpu.vector_load_idx %arg9[%get3A_133] : memref<10000xi32, #tpu.memory_space<vmem>>[vector<16xi32>], vector<16xi32>,
      %le3A_140 = arith.constant 1000 : i32
      %le3A_141 = vector.broadcast %le3A_140 : i32 to vector<16xi32>
      %le3A_142 = arith.cmpi sle, %gather3A_139, %le3A_141 : vector<16xi32>
      %convert_element_type3A_143 = arith.extui %le3A_142 : vector<16xi1> to vector<16xi32>
      %broadcast_in_dim3A_144 = arith.constant true
      %broadcast_in_dim3A_145 = vector.broadcast %broadcast_in_dim3A_144 : i1 to vector<16xi1>
      %masked_cumsum3A_146 = tpu.scan <sum>, %convert_element_type3A_143 masked %broadcast_in_dim3A_145 : vector<16xi32>, vector<16xi1> -> vector<16xi32>
      %add3A_147 = vector.broadcast %scan3A_126 : i32 to vector<16xi32>
      %add3A_148 = arith.addi %add3A_147, %masked_cumsum3A_146 : vector<16xi32>
      %sub3A_149 = arith.constant 1 : i32
      %sub3A_150 = vector.broadcast %sub3A_149 : i32 to vector<16xi32>
      %sub3A_151 = arith.subi %add3A_148, %sub3A_150 : vector<16xi32>
      tpu.vector_store_idx %arg8[%sub3A_151], %get3A_133 masked %le3A_142 : memref<10064xi32, #tpu.memory_space<vmem>>[vector<16xi32>], vector<16xi32>, vector<16xi1>
      tpu.vector_store_idx %arg7[%sub3A_151], %get3A_138 masked %le3A_142 : memref<10064xi32, #tpu.memory_space<vmem>>[vector<16xi32>], vector<16xi32>, vector<16xi1>
      %reduce_sum3A_152 = arith.constant true
      %reduce_sum3A_153 = vector.broadcast %reduce_sum3A_152 : i1 to vector<16xi1>
      %reduce_sum3A_154 = tpu.scan <sum>, %convert_element_type3A_143 masked %reduce_sum3A_153 : vector<16xi32>, vector<16xi1> -> vector<16xi32>
      %reduce_sum3A_155 = vector.extract %reduce_sum3A_154[15] : i32 from vector<16xi32>
      %add3A_156 = arith.addi %scan3A_126, %reduce_sum3A_155 : i32
      %mul3A_157 = arith.constant 2 : i32
      %mul3A_158 = arith.muli %mul3A_157, %scan3A_125 : i32
      %add3A_159 = arith.constant 1 : i32
      %add3A_160 = arith.addi %mul3A_158, %add3A_159 : i32
      %mul3A_161 = arith.constant 16 : i32
      %mul3A_162 = arith.muli %add3A_160, %mul3A_161 : i32
      %multiple_of3A_163 = tpu.assume_multiple %mul3A_162, 16 : i32
      %get3A_164 = arith.index_cast %multiple_of3A_163 : i32 to index
      %get3A_165 = tpu.vector_load %arg8[%get3A_164] {strides = array<i32>} : memref<10064xi32, #tpu.memory_space<vmem>>, vector<16xi32>,
      %mul3A_166 = arith.constant 16 : i32
      %mul3A_167 = arith.muli %add3A_160, %mul3A_166 : i32
      %multiple_of3A_168 = tpu.assume_multiple %mul3A_167, 16 : i32
      %get3A_169 = arith.index_cast %multiple_of3A_168 : i32 to index
      %get3A_170 = tpu.vector_load %arg7[%get3A_169] {strides = array<i32>} : memref<10064xi32, #tpu.memory_space<vmem>>, vector<16xi32>,
      %gather3A_171 = tpu.vector_load_idx %arg9[%get3A_165] : memref<10000xi32, #tpu.memory_space<vmem>>[vector<16xi32>], vector<16xi32>,
      %le3A_172 = arith.constant 1000 : i32
      %le3A_173 = vector.broadcast %le3A_172 : i32 to vector<16xi32>
      %le3A_174 = arith.cmpi sle, %gather3A_171, %le3A_173 : vector<16xi32>
      %convert_element_type3A_175 = arith.extui %le3A_174 : vector<16xi1> to vector<16xi32>
      %broadcast_in_dim3A_176 = arith.constant true
      %broadcast_in_dim3A_177 = vector.broadcast %broadcast_in_dim3A_176 : i1 to vector<16xi1>
      %masked_cumsum3A_178 = tpu.scan <sum>, %convert_element_type3A_175 masked %broadcast_in_dim3A_177 : vector<16xi32>, vector<16xi1> -> vector<16xi32>
      %add3A_179 = vector.broadcast %add3A_156 : i32 to vector<16xi32>
      %add3A_180 = arith.addi %add3A_179, %masked_cumsum3A_178 : vector<16xi32>
      %sub3A_181 = arith.constant 1 : i32
      %sub3A_182 = vector.broadcast %sub3A_181 : i32 to vector<16xi32>
      %sub3A_183 = arith.subi %add3A_180, %sub3A_182 : vector<16xi32>
      tpu.vector_store_idx %arg8[%sub3A_183], %get3A_165 masked %le3A_174 : memref<10064xi32, #tpu.memory_space<vmem>>[vector<16xi32>], vector<16xi32>, vector<16xi1>
      tpu.vector_store_idx %arg7[%sub3A_183], %get3A_170 masked %le3A_174 : memref<10064xi32, #tpu.memory_space<vmem>>[vector<16xi32>], vector<16xi32>, vector<16xi1>
      %reduce_sum3A_184 = arith.constant true
      %reduce_sum3A_185 = vector.broadcast %reduce_sum3A_184 : i1 to vector<16xi1>
      %reduce_sum3A_186 = tpu.scan <sum>, %convert_element_type3A_175 masked %reduce_sum3A_185 : vector<16xi32>, vector<16xi1> -> vector<16xi32>
      %reduce_sum3A_187 = vector.extract %reduce_sum3A_186[15] : i32 from vector<16xi32>
      %add3A_188 = arith.addi %add3A_156, %reduce_sum3A_187 : i32
      scf.yield %add3A_188 : i32
    }
    %scan3A_35 = arith.constant 312 : i32
    %multiple_of3A_36 = arith.constant 9984 : i32
    %multiple_of3A_37 = tpu.assume_multiple %multiple_of3A_36, 16 : i32
    %get3A = arith.index_cast %multiple_of3A_37 : i32 to index
    %get3A_38 = tpu.vector_load %arg8[%get3A] {strides = array<i32>} : memref<10064xi32, #tpu.memory_space<vmem>>, vector<16xi32>,
    %multiple_of3A_39 = arith.constant 9984 : i32
    %multiple_of3A_40 = tpu.assume_multiple %multiple_of3A_39, 16 : i32
    %get3A_41 = arith.index_cast %multiple_of3A_40 : i32 to index
    %get3A_42 = tpu.vector_load %arg7[%get3A_41] {strides = array<i32>} : memref<10064xi32, #tpu.memory_space<vmem>>, vector<16xi32>,
    %gather3A = tpu.vector_load_idx %arg9[%get3A_38] : memref<10000xi32, #tpu.memory_space<vmem>>[vector<16xi32>], vector<16xi32>,
    %le3A = arith.constant 1000 : i32
    %le3A_43 = vector.broadcast %le3A : i32 to vector<16xi32>
    %le3A_44 = arith.cmpi sle, %gather3A, %le3A_43 : vector<16xi32>
    %convert_element_type3A = arith.extui %le3A_44 : vector<16xi1> to vector<16xi32>
    %broadcast_in_dim3A = arith.constant true
    %broadcast_in_dim3A_45 = vector.broadcast %broadcast_in_dim3A : i1 to vector<16xi1>
    %masked_cumsum3A = tpu.scan <sum>, %convert_element_type3A masked %broadcast_in_dim3A_45 : vector<16xi32>, vector<16xi1> -> vector<16xi32>
    %add3A_46 = vector.broadcast %scan3A_34 : i32 to vector<16xi32>
    %add3A_47 = arith.addi %add3A_46, %masked_cumsum3A : vector<16xi32>
    %sub3A = arith.constant 1 : i32
    %sub3A_48 = vector.broadcast %sub3A : i32 to vector<16xi32>
    %sub3A_49 = arith.subi %add3A_47, %sub3A_48 : vector<16xi32>
    tpu.vector_store_idx %arg8[%sub3A_49], %get3A_38 masked %le3A_44 : memref<10064xi32, #tpu.memory_space<vmem>>[vector<16xi32>], vector<16xi32>, vector<16xi1>
    tpu.vector_store_idx %arg7[%sub3A_49], %get3A_42 masked %le3A_44 : memref<10064xi32, #tpu.memory_space<vmem>>[vector<16xi32>], vector<16xi32>, vector<16xi1>
    %reduce_sum3A = arith.constant true
    %reduce_sum3A_50 = vector.broadcast %reduce_sum3A : i1 to vector<16xi1>
    %reduce_sum3A_51 = tpu.scan <sum>, %convert_element_type3A masked %reduce_sum3A_50 : vector<16xi32>, vector<16xi1> -> vector<16xi32>
    %reduce_sum3A_52 = vector.extract %reduce_sum3A_51[15] : i32 from vector<16xi32>
    %add3A_53 = arith.addi %scan3A_34, %reduce_sum3A_52 : i32
    "tpu.trace_stop"() : () -> ()
    %iota3A = tpu.iota {dimensions = array<i32: 0>} : vector<16xi32>
    %add3A_54 = arith.constant 10000 : i32
    %add3A_55 = vector.broadcast %add3A_54 : i32 to vector<16xi32>
    %add3A_56 = arith.addi %add3A_55, %iota3A : vector<16xi32>
    %broadcast_in_dim3A_57 = arith.constant 0 : i32
    %broadcast_in_dim3A_58 = vector.broadcast %broadcast_in_dim3A_57 : i32 to vector<16xi32>
    %broadcast_in_dim3A_59 = arith.constant true
    %broadcast_in_dim3A_60 = vector.broadcast %broadcast_in_dim3A_59 : i1 to vector<16xi1>
    %add3A_61 = arith.constant 0 : i32
    %add3A_62 = arith.addi %add3A_53, %add3A_61 : i32
    %add3A_63 = vector.broadcast %add3A_62 : i32 to vector<16xi32>
    %add3A_64 = arith.addi %add3A_63, %iota3A : vector<16xi32>
    tpu.vector_store_idx %arg8[%add3A_64], %broadcast_in_dim3A_58 masked %broadcast_in_dim3A_60 : memref<10064xi32, #tpu.memory_space<vmem>>[vector<16xi32>], vector<16xi32>, vector<16xi1>
    tpu.vector_store_idx %arg7[%add3A_64], %add3A_56 masked %broadcast_in_dim3A_60 : memref<10064xi32, #tpu.memory_space<vmem>>[vector<16xi32>], vector<16xi32>, vector<16xi1>
    %add3A_65 = arith.constant 16 : i32
    %add3A_66 = arith.addi %add3A_53, %add3A_65 : i32
    %add3A_67 = vector.broadcast %add3A_66 : i32 to vector<16xi32>
    %add3A_68 = arith.addi %add3A_67, %iota3A : vector<16xi32>
    tpu.vector_store_idx %arg8[%add3A_68], %broadcast_in_dim3A_58 masked %broadcast_in_dim3A_60 : memref<10064xi32, #tpu.memory_space<vmem>>[vector<16xi32>], vector<16xi32>, vector<16xi1>
    tpu.vector_store_idx %arg7[%add3A_68], %add3A_56 masked %broadcast_in_dim3A_60 : memref<10064xi32, #tpu.memory_space<vmem>>[vector<16xi32>], vector<16xi32>, vector<16xi1>
    %add3A_69 = arith.constant 32 : i32
    %add3A_70 = arith.addi %add3A_53, %add3A_69 : i32
    %add3A_71 = vector.broadcast %add3A_70 : i32 to vector<16xi32>
    %add3A_72 = arith.addi %add3A_71, %iota3A : vector<16xi32>
    tpu.vector_store_idx %arg8[%add3A_72], %broadcast_in_dim3A_58 masked %broadcast_in_dim3A_60 : memref<10064xi32, #tpu.memory_space<vmem>>[vector<16xi32>], vector<16xi32>, vector<16xi1>
    tpu.vector_store_idx %arg7[%add3A_72], %add3A_56 masked %broadcast_in_dim3A_60 : memref<10064xi32, #tpu.memory_space<vmem>>[vector<16xi32>], vector<16xi32>, vector<16xi1>
    %add3A_73 = arith.constant 48 : i32
    %add3A_74 = arith.addi %add3A_53, %add3A_73 : i32
    %add3A_75 = vector.broadcast %add3A_74 : i32 to vector<16xi32>
    %add3A_76 = arith.addi %add3A_75, %iota3A : vector<16xi32>
    tpu.vector_store_idx %arg8[%add3A_76], %broadcast_in_dim3A_58 masked %broadcast_in_dim3A_60 : memref<10064xi32, #tpu.memory_space<vmem>>[vector<16xi32>], vector<16xi32>, vector<16xi1>
    tpu.vector_store_idx %arg7[%add3A_76], %add3A_56 masked %broadcast_in_dim3A_60 : memref<10064xi32, #tpu.memory_space<vmem>>[vector<16xi32>], vector<16xi32>, vector<16xi1>
    %add3A_77 = arith.constant 64 : i32
    %add3A_78 = arith.addi %add3A_53, %add3A_77 : i32
    %sub3A_79 = arith.constant 1 : i32
    %sub3A_80 = arith.subi %add3A_78, %sub3A_79 : i32
    %jit3A = arith.constant 64 : i32
    %div3A = arith.divsi %sub3A_80, %jit3A : i32
    %sign3A = arith.constant 0 : i32
    %sign3A_81 = arith.cmpi sgt, %sub3A_80, %sign3A : i32
    %sign3A_82 = arith.extui %sign3A_81 : i1 to i32
    %sign3A_83 = arith.constant 0 : i32
    %sign3A_84 = arith.cmpi slt, %sub3A_80, %sign3A_83 : i32
    %sign3A_85 = arith.extui %sign3A_84 : i1 to i32
    %sign3A_86 = arith.subi %sign3A_82, %sign3A_85 : i32
    %sign3A_87 = arith.constant 0 : i32
    %sign3A_88 = arith.cmpi sgt, %jit3A, %sign3A_87 : i32
    %sign3A_89 = arith.extui %sign3A_88 : i1 to i32
    %sign3A_90 = arith.constant 0 : i32
    %sign3A_91 = arith.cmpi slt, %jit3A, %sign3A_90 : i32
    %sign3A_92 = arith.extui %sign3A_91 : i1 to i32
    %sign3A_93 = arith.subi %sign3A_89, %sign3A_92 : i32
    %ne3A = arith.cmpi ne, %sign3A_86, %sign3A_93 : i32
    %rem3A = arith.remsi %sub3A_80, %jit3A : i32
    %ne3A_94 = arith.constant 0 : i32
    %ne3A_95 = arith.cmpi ne, %rem3A, %ne3A_94 : i32
    %and3A = arith.andi %ne3A, %ne3A_95 : i1
    %sub3A_96 = arith.constant 1 : i32
    %sub3A_97 = arith.subi %div3A, %sub3A_96 : i32
    %select_n3A = arith.select %and3A, %sub3A_97, %div3A : i32
    "tpu.trace_start"() <{level = 10 : i32, message = "barrier1"}> : () -> ()
    %barrier3A = arith.constant 0 : index
    tpu.barrier barrier_id(%barrier3A)
    "tpu.trace_stop"() : () -> ()
    "tpu.trace_start"() <{level = 10 : i32, message = "gather_scatter"}> : () -> ()
    %sub3A_98 = arith.constant 0 : i32
    %sub3A_99 = arith.subi %select_n3A, %sub3A_98 : i32
    %sub3A_100 = arith.constant 2 : i32
    %sub3A_101 = arith.constant 1 : i32
    %sub3A_102 = arith.subi %sub3A_100, %sub3A_101 : i32
    %add3A_103 = arith.addi %sub3A_99, %sub3A_102 : i32
    %div3A_104 = arith.constant 2 : i32
    %div3A_105 = arith.divsi %add3A_103, %div3A_104 : i32
    %while3A = arith.constant 2 : i32
    %while3A_106 = arith.constant 0 : i32
    %while3A_107 = arith.constant 0 : i32
    %while3A_108 = arith.subi %div3A_105, %while3A_107 : i32
    %while3A_109 = arith.addi %while3A_107, %while3A_108 : i32
    %while3A_110 = arith.constant 1 : i32
    %while3A_111 = arith.divsi %while3A_108, %while3A_110 : i32
    %while3A_112 = arith.muli %while3A_111, %while3A_110 : i32
    %while3A_113 = arith.addi %while3A_107, %while3A_112 : i32
    %while3A_114 = arith.constant 1 : i32
    scf.for %while3A_125 = %while3A_107 to %while3A_113 step %while3A_114  : i32 {
      %mul3A_126 = arith.muli %while3A_125, %while3A : i32
      %add3A_127 = arith.addi %while3A_106, %mul3A_126 : i32
      %add3A_128 = arith.constant 0 : i32
      %add3A_129 = arith.addi %add3A_127, %add3A_128 : i32
      %lt3A = arith.cmpi slt, %add3A_129, %select_n3A : i32
      %convert_element_type3A_130 = arith.extui %lt3A : i1 to i32
      %cond3A_131 = arith.constant 0 : i32
      %cond3A_132 = arith.cmpi ne, %convert_element_type3A_130, %cond3A_131 : i32
      scf.if %cond3A_132 {
        %gt3A_151 = arith.constant 0 : i32
        %gt3A_152 = arith.cmpi sgt, %add3A_127, %gt3A_151 : i32
        %convert_element_type3A_153 = arith.extui %gt3A_152 : i1 to i32
        %cond3A_154 = arith.constant 0 : i32
        %cond3A_155 = arith.cmpi ne, %convert_element_type3A_153, %cond3A_154 : i32
        scf.if %cond3A_155 {
          %dma_wait3A_211 = arith.constant 0 : i32
          %dma_wait3A_212 = arith.constant 0 : i32
          %dma_wait3A_213 = tpu.memref_slice %arg16[%dma_wait3A_211, %dma_wait3A_212] : memref<10112x128xf32, #tpu.memory_space<vmem_shared>> -> memref<10112x128xf32, #tpu.memory_space<vmem_shared>>
          tpu.wait_indirect_dma semaphore(%arg22 : memref<!tpu.dma_semaphore, #tpu.memory_space<semaphore_mem>>) src(%arg14 : memref<64x128xf32, #tpu.memory_space<vmem>>) dst(%dma_wait3A_213 : memref<10112x128xf32, #tpu.memory_space<vmem_shared>>)
        } else {
        }
        %add3A_156 = arith.constant 0 : i32
        %add3A_157 = arith.addi %add3A_127, %add3A_156 : i32
        %mul3A_158 = arith.constant 64 : i32
        %mul3A_159 = arith.muli %add3A_157, %mul3A_158 : i32
        %multiple_of3A_160 = tpu.assume_multiple %mul3A_159, 64 : i32
        %add3A_161 = arith.constant 0 : i32
        %add3A_162 = arith.addi %multiple_of3A_160, %add3A_161 : i32
        %get3A_163 = arith.index_cast %add3A_162 : i32 to index
        %get3A_164 = tpu.vector_load %arg8[%get3A_163] {strides = array<i32>} : memref<10064xi32, #tpu.memory_space<vmem>>, vector<16xi32>,
        %swap3A = arith.constant 0 : index
        %swap3A_165 = tpu.vector_load %arg11[%swap3A] {strides = array<i32>} : memref<64xi32, #tpu.memory_space<vmem>>, vector<16xi32>,
        tpu.vector_store %arg11[%swap3A], %get3A_164 {strides = array<i32>} : memref<64xi32, #tpu.memory_space<vmem>>, vector<16xi32>,
        %add3A_166 = arith.constant 0 : i32
        %add3A_167 = arith.addi %multiple_of3A_160, %add3A_166 : i32
        %get3A_168 = arith.index_cast %add3A_167 : i32 to index
        %get3A_169 = tpu.vector_load %arg7[%get3A_168] {strides = array<i32>} : memref<10064xi32, #tpu.memory_space<vmem>>, vector<16xi32>,
        %swap3A_170 = arith.constant 0 : index
        %swap3A_171 = tpu.vector_load %arg10[%swap3A_170] {strides = array<i32>} : memref<64xi32, #tpu.memory_space<vmem>>, vector<16xi32>,
        tpu.vector_store %arg10[%swap3A_170], %get3A_169 {strides = array<i32>} : memref<64xi32, #tpu.memory_space<vmem>>, vector<16xi32>,
        %add3A_172 = arith.constant 16 : i32
        %add3A_173 = arith.addi %multiple_of3A_160, %add3A_172 : i32
        %get3A_174 = arith.index_cast %add3A_173 : i32 to index
        %get3A_175 = tpu.vector_load %arg8[%get3A_174] {strides = array<i32>} : memref<10064xi32, #tpu.memory_space<vmem>>, vector<16xi32>,
        %swap3A_176 = arith.constant 16 : index
        %swap3A_177 = tpu.vector_load %arg11[%swap3A_176] {strides = array<i32>} : memref<64xi32, #tpu.memory_space<vmem>>, vector<16xi32>,
        tpu.vector_store %arg11[%swap3A_176], %get3A_175 {strides = array<i32>} : memref<64xi32, #tpu.memory_space<vmem>>, vector<16xi32>,
        %add3A_178 = arith.constant 16 : i32
        %add3A_179 = arith.addi %multiple_of3A_160, %add3A_178 : i32
        %get3A_180 = arith.index_cast %add3A_179 : i32 to index
        %get3A_181 = tpu.vector_load %arg7[%get3A_180] {strides = array<i32>} : memref<10064xi32, #tpu.memory_space<vmem>>, vector<16xi32>,
        %swap3A_182 = arith.constant 16 : index
        %swap3A_183 = tpu.vector_load %arg10[%swap3A_182] {strides = array<i32>} : memref<64xi32, #tpu.memory_space<vmem>>, vector<16xi32>,
        tpu.vector_store %arg10[%swap3A_182], %get3A_181 {strides = array<i32>} : memref<64xi32, #tpu.memory_space<vmem>>, vector<16xi32>,
        %add3A_184 = arith.constant 32 : i32
        %add3A_185 = arith.addi %multiple_of3A_160, %add3A_184 : i32
        %get3A_186 = arith.index_cast %add3A_185 : i32 to index
        %get3A_187 = tpu.vector_load %arg8[%get3A_186] {strides = array<i32>} : memref<10064xi32, #tpu.memory_space<vmem>>, vector<16xi32>,
        %swap3A_188 = arith.constant 32 : index
        %swap3A_189 = tpu.vector_load %arg11[%swap3A_188] {strides = array<i32>} : memref<64xi32, #tpu.memory_space<vmem>>, vector<16xi32>,
        tpu.vector_store %arg11[%swap3A_188], %get3A_187 {strides = array<i32>} : memref<64xi32, #tpu.memory_space<vmem>>, vector<16xi32>,
        %add3A_190 = arith.constant 32 : i32
        %add3A_191 = arith.addi %multiple_of3A_160, %add3A_190 : i32
        %get3A_192 = arith.index_cast %add3A_191 : i32 to index
        %get3A_193 = tpu.vector_load %arg7[%get3A_192] {strides = array<i32>} : memref<10064xi32, #tpu.memory_space<vmem>>, vector<16xi32>,
        %swap3A_194 = arith.constant 32 : index
        %swap3A_195 = tpu.vector_load %arg10[%swap3A_194] {strides = array<i32>} : memref<64xi32, #tpu.memory_space<vmem>>, vector<16xi32>,
        tpu.vector_store %arg10[%swap3A_194], %get3A_193 {strides = array<i32>} : memref<64xi32, #tpu.memory_space<vmem>>, vector<16xi32>,
        %add3A_196 = arith.constant 48 : i32
        %add3A_197 = arith.addi %multiple_of3A_160, %add3A_196 : i32
        %get3A_198 = arith.index_cast %add3A_197 : i32 to index
        %get3A_199 = tpu.vector_load %arg8[%get3A_198] {strides = array<i32>} : memref<10064xi32, #tpu.memory_space<vmem>>, vector<16xi32>,
        %swap3A_200 = arith.constant 48 : index
        %swap3A_201 = tpu.vector_load %arg11[%swap3A_200] {strides = array<i32>} : memref<64xi32, #tpu.memory_space<vmem>>, vector<16xi32>,
        tpu.vector_store %arg11[%swap3A_200], %get3A_199 {strides = array<i32>} : memref<64xi32, #tpu.memory_space<vmem>>, vector<16xi32>,
        %add3A_202 = arith.constant 48 : i32
        %add3A_203 = arith.addi %multiple_of3A_160, %add3A_202 : i32
        %get3A_204 = arith.index_cast %add3A_203 : i32 to index
        %get3A_205 = tpu.vector_load %arg7[%get3A_204] {strides = array<i32>} : memref<10064xi32, #tpu.memory_space<vmem>>, vector<16xi32>,
        %swap3A_206 = arith.constant 48 : index
        %swap3A_207 = tpu.vector_load %arg10[%swap3A_206] {strides = array<i32>} : memref<64xi32, #tpu.memory_space<vmem>>, vector<16xi32>,
        tpu.vector_store %arg10[%swap3A_206], %get3A_205 {strides = array<i32>} : memref<64xi32, #tpu.memory_space<vmem>>, vector<16xi32>,
        %dma_start3A_208 = arith.constant 0 : i32
        %dma_start3A_209 = arith.constant 0 : i32
        %dma_start3A_210 = tpu.memref_slice %arg2[%dma_start3A_208, %dma_start3A_209] : memref<10000x128xf32, #tpu.memory_space<hbm>> -> memref<10000x128xf32, #tpu.memory_space<hbm>>
        tpu.enqueue_indirect_dma source(%dma_start3A_210 : memref<10000x128xf32, #tpu.memory_space<hbm>>) target(%arg14 : memref<64x128xf32, #tpu.memory_space<vmem>>) offsets(%arg11 : memref<64xi32, #tpu.memory_space<vmem>>) semaphore(%arg20 : memref<!tpu.dma_semaphore, #tpu.memory_space<semaphore_mem>>)
      } else {
      }
      %add3A_133 = arith.constant 1 : i32
      %add3A_134 = arith.addi %add3A_127, %add3A_133 : i32
      %lt3A_135 = arith.cmpi slt, %add3A_134, %select_n3A : i32
      %convert_element_type3A_136 = arith.extui %lt3A_135 : i1 to i32
      %cond3A_137 = arith.constant 0 : i32
      %cond3A_138 = arith.cmpi ne, %convert_element_type3A_136, %cond3A_137 : i32
      scf.if %cond3A_138 {
        %gt3A_151 = arith.constant 0 : i32
        %gt3A_152 = arith.cmpi sgt, %add3A_127, %gt3A_151 : i32
        %convert_element_type3A_153 = arith.extui %gt3A_152 : i1 to i32
        %cond3A_154 = arith.constant 0 : i32
        %cond3A_155 = arith.cmpi ne, %convert_element_type3A_153, %cond3A_154 : i32
        scf.if %cond3A_155 {
          %dma_wait3A_211 = arith.constant 0 : i32
          %dma_wait3A_212 = arith.constant 0 : i32
          %dma_wait3A_213 = tpu.memref_slice %arg16[%dma_wait3A_211, %dma_wait3A_212] : memref<10112x128xf32, #tpu.memory_space<vmem_shared>> -> memref<10112x128xf32, #tpu.memory_space<vmem_shared>>
          tpu.wait_indirect_dma semaphore(%arg23 : memref<!tpu.dma_semaphore, #tpu.memory_space<semaphore_mem>>) src(%arg15 : memref<64x128xf32, #tpu.memory_space<vmem>>) dst(%dma_wait3A_213 : memref<10112x128xf32, #tpu.memory_space<vmem_shared>>)
        } else {
        }
        %add3A_156 = arith.constant 1 : i32
        %add3A_157 = arith.addi %add3A_127, %add3A_156 : i32
        %mul3A_158 = arith.constant 64 : i32
        %mul3A_159 = arith.muli %add3A_157, %mul3A_158 : i32
        %multiple_of3A_160 = tpu.assume_multiple %mul3A_159, 64 : i32
        %add3A_161 = arith.constant 0 : i32
        %add3A_162 = arith.addi %multiple_of3A_160, %add3A_161 : i32
        %get3A_163 = arith.index_cast %add3A_162 : i32 to index
        %get3A_164 = tpu.vector_load %arg8[%get3A_163] {strides = array<i32>} : memref<10064xi32, #tpu.memory_space<vmem>>, vector<16xi32>,
        %swap3A = arith.constant 0 : index
        %swap3A_165 = tpu.vector_load %arg13[%swap3A] {strides = array<i32>} : memref<64xi32, #tpu.memory_space<vmem>>, vector<16xi32>,
        tpu.vector_store %arg13[%swap3A], %get3A_164 {strides = array<i32>} : memref<64xi32, #tpu.memory_space<vmem>>, vector<16xi32>,
        %add3A_166 = arith.constant 0 : i32
        %add3A_167 = arith.addi %multiple_of3A_160, %add3A_166 : i32
        %get3A_168 = arith.index_cast %add3A_167 : i32 to index
        %get3A_169 = tpu.vector_load %arg7[%get3A_168] {strides = array<i32>} : memref<10064xi32, #tpu.memory_space<vmem>>, vector<16xi32>,
        %swap3A_170 = arith.constant 0 : index
        %swap3A_171 = tpu.vector_load %arg12[%swap3A_170] {strides = array<i32>} : memref<64xi32, #tpu.memory_space<vmem>>, vector<16xi32>,
        tpu.vector_store %arg12[%swap3A_170], %get3A_169 {strides = array<i32>} : memref<64xi32, #tpu.memory_space<vmem>>, vector<16xi32>,
        %add3A_172 = arith.constant 16 : i32
        %add3A_173 = arith.addi %multiple_of3A_160, %add3A_172 : i32
        %get3A_174 = arith.index_cast %add3A_173 : i32 to index
        %get3A_175 = tpu.vector_load %arg8[%get3A_174] {strides = array<i32>} : memref<10064xi32, #tpu.memory_space<vmem>>, vector<16xi32>,
        %swap3A_176 = arith.constant 16 : index
        %swap3A_177 = tpu.vector_load %arg13[%swap3A_176] {strides = array<i32>} : memref<64xi32, #tpu.memory_space<vmem>>, vector<16xi32>,
        tpu.vector_store %arg13[%swap3A_176], %get3A_175 {strides = array<i32>} : memref<64xi32, #tpu.memory_space<vmem>>, vector<16xi32>,
        %add3A_178 = arith.constant 16 : i32
        %add3A_179 = arith.addi %multiple_of3A_160, %add3A_178 : i32
        %get3A_180 = arith.index_cast %add3A_179 : i32 to index
        %get3A_181 = tpu.vector_load %arg7[%get3A_180] {strides = array<i32>} : memref<10064xi32, #tpu.memory_space<vmem>>, vector<16xi32>,
        %swap3A_182 = arith.constant 16 : index
        %swap3A_183 = tpu.vector_load %arg12[%swap3A_182] {strides = array<i32>} : memref<64xi32, #tpu.memory_space<vmem>>, vector<16xi32>,
        tpu.vector_store %arg12[%swap3A_182], %get3A_181 {strides = array<i32>} : memref<64xi32, #tpu.memory_space<vmem>>, vector<16xi32>,
        %add3A_184 = arith.constant 32 : i32
        %add3A_185 = arith.addi %multiple_of3A_160, %add3A_184 : i32
        %get3A_186 = arith.index_cast %add3A_185 : i32 to index
        %get3A_187 = tpu.vector_load %arg8[%get3A_186] {strides = array<i32>} : memref<10064xi32, #tpu.memory_space<vmem>>, vector<16xi32>,
        %swap3A_188 = arith.constant 32 : index
        %swap3A_189 = tpu.vector_load %arg13[%swap3A_188] {strides = array<i32>} : memref<64xi32, #tpu.memory_space<vmem>>, vector<16xi32>,
        tpu.vector_store %arg13[%swap3A_188], %get3A_187 {strides = array<i32>} : memref<64xi32, #tpu.memory_space<vmem>>, vector<16xi32>,
        %add3A_190 = arith.constant 32 : i32
        %add3A_191 = arith.addi %multiple_of3A_160, %add3A_190 : i32
        %get3A_192 = arith.index_cast %add3A_191 : i32 to index
        %get3A_193 = tpu.vector_load %arg7[%get3A_192] {strides = array<i32>} : memref<10064xi32, #tpu.memory_space<vmem>>, vector<16xi32>,
        %swap3A_194 = arith.constant 32 : index
        %swap3A_195 = tpu.vector_load %arg12[%swap3A_194] {strides = array<i32>} : memref<64xi32, #tpu.memory_space<vmem>>, vector<16xi32>,
        tpu.vector_store %arg12[%swap3A_194], %get3A_193 {strides = array<i32>} : memref<64xi32, #tpu.memory_space<vmem>>, vector<16xi32>,
        %add3A_196 = arith.constant 48 : i32
        %add3A_197 = arith.addi %multiple_of3A_160, %add3A_196 : i32
        %get3A_198 = arith.index_cast %add3A_197 : i32 to index
        %get3A_199 = tpu.vector_load %arg8[%get3A_198] {strides = array<i32>} : memref<10064xi32, #tpu.memory_space<vmem>>, vector<16xi32>,
        %swap3A_200 = arith.constant 48 : index
        %swap3A_201 = tpu.vector_load %arg13[%swap3A_200] {strides = array<i32>} : memref<64xi32, #tpu.memory_space<vmem>>, vector<16xi32>,
        tpu.vector_store %arg13[%swap3A_200], %get3A_199 {strides = array<i32>} : memref<64xi32, #tpu.memory_space<vmem>>, vector<16xi32>,
        %add3A_202 = arith.constant 48 : i32
        %add3A_203 = arith.addi %multiple_of3A_160, %add3A_202 : i32
        %get3A_204 = arith.index_cast %add3A_203 : i32 to index
        %get3A_205 = tpu.vector_load %arg7[%get3A_204] {strides = array<i32>} : memref<10064xi32, #tpu.memory_space<vmem>>, vector<16xi32>,
        %swap3A_206 = arith.constant 48 : index
        %swap3A_207 = tpu.vector_load %arg12[%swap3A_206] {strides = array<i32>} : memref<64xi32, #tpu.memory_space<vmem>>, vector<16xi32>,
        tpu.vector_store %arg12[%swap3A_206], %get3A_205 {strides = array<i32>} : memref<64xi32, #tpu.memory_space<vmem>>, vector<16xi32>,
        %dma_start3A_208 = arith.constant 0 : i32
        %dma_start3A_209 = arith.constant 0 : i32
        %dma_start3A_210 = tpu.memref_slice %arg2[%dma_start3A_208, %dma_start3A_209] : memref<10000x128xf32, #tpu.memory_space<hbm>> -> memref<10000x128xf32, #tpu.memory_space<hbm>>
        tpu.enqueue_indirect_dma source(%dma_start3A_210 : memref<10000x128xf32, #tpu.memory_space<hbm>>) target(%arg15 : memref<64x128xf32, #tpu.memory_space<vmem>>) offsets(%arg13 : memref<64xi32, #tpu.memory_space<vmem>>) semaphore(%arg21 : memref<!tpu.dma_semaphore, #tpu.memory_space<semaphore_mem>>)
      } else {
      }
      %add3A_139 = arith.constant 0 : i32
      %add3A_140 = arith.addi %add3A_127, %add3A_139 : i32
      %lt3A_141 = arith.cmpi slt, %add3A_140, %select_n3A : i32
      %convert_element_type3A_142 = arith.extui %lt3A_141 : i1 to i32
      %cond3A_143 = arith.constant 0 : i32
      %cond3A_144 = arith.cmpi ne, %convert_element_type3A_142, %cond3A_143 : i32
      scf.if %cond3A_144 {
        %dma_wait3A_151 = arith.constant 0 : i32
        %dma_wait3A_152 = arith.constant 0 : i32
        %dma_wait3A_153 = tpu.memref_slice %arg2[%dma_wait3A_151, %dma_wait3A_152] : memref<10000x128xf32, #tpu.memory_space<hbm>> -> memref<10000x128xf32, #tpu.memory_space<hbm>>
        tpu.wait_indirect_dma semaphore(%arg20 : memref<!tpu.dma_semaphore, #tpu.memory_space<semaphore_mem>>) src(%dma_wait3A_153 : memref<10000x128xf32, #tpu.memory_space<hbm>>) dst(%arg14 : memref<64x128xf32, #tpu.memory_space<vmem>>)
        %dma_start3A_154 = arith.constant 0 : i32
        %dma_start3A_155 = arith.constant 0 : i32
        %dma_start3A_156 = tpu.memref_slice %arg16[%dma_start3A_154, %dma_start3A_155] : memref<10112x128xf32, #tpu.memory_space<vmem_shared>> -> memref<10112x128xf32, #tpu.memory_space<vmem_shared>>
        tpu.enqueue_indirect_dma source(%arg14 : memref<64x128xf32, #tpu.memory_space<vmem>>) target(%dma_start3A_156 : memref<10112x128xf32, #tpu.memory_space<vmem_shared>>) offsets(%arg10 : memref<64xi32, #tpu.memory_space<vmem>>) semaphore(%arg22 : memref<!tpu.dma_semaphore, #tpu.memory_space<semaphore_mem>>) {add = true}
      } else {
      }
      %add3A_145 = arith.constant 1 : i32
      %add3A_146 = arith.addi %add3A_127, %add3A_145 : i32
      %lt3A_147 = arith.cmpi slt, %add3A_146, %select_n3A : i32
      %convert_element_type3A_148 = arith.extui %lt3A_147 : i1 to i32
      %cond3A_149 = arith.constant 0 : i32
      %cond3A_150 = arith.cmpi ne, %convert_element_type3A_148, %cond3A_149 : i32
      scf.if %cond3A_150 {
        %dma_wait3A_151 = arith.constant 0 : i32
        %dma_wait3A_152 = arith.constant 0 : i32
        %dma_wait3A_153 = tpu.memref_slice %arg2[%dma_wait3A_151, %dma_wait3A_152] : memref<10000x128xf32, #tpu.memory_space<hbm>> -> memref<10000x128xf32, #tpu.memory_space<hbm>>
        tpu.wait_indirect_dma semaphore(%arg21 : memref<!tpu.dma_semaphore, #tpu.memory_space<semaphore_mem>>) src(%dma_wait3A_153 : memref<10000x128xf32, #tpu.memory_space<hbm>>) dst(%arg15 : memref<64x128xf32, #tpu.memory_space<vmem>>)
        %dma_start3A_154 = arith.constant 0 : i32
        %dma_start3A_155 = arith.constant 0 : i32
        %dma_start3A_156 = tpu.memref_slice %arg16[%dma_start3A_154, %dma_start3A_155] : memref<10112x128xf32, #tpu.memory_space<vmem_shared>> -> memref<10112x128xf32, #tpu.memory_space<vmem_shared>>
        tpu.enqueue_indirect_dma source(%arg15 : memref<64x128xf32, #tpu.memory_space<vmem>>) target(%dma_start3A_156 : memref<10112x128xf32, #tpu.memory_space<vmem_shared>>) offsets(%arg12 : memref<64xi32, #tpu.memory_space<vmem>>) semaphore(%arg23 : memref<!tpu.dma_semaphore, #tpu.memory_space<semaphore_mem>>) {add = true}
      } else {
      }
    }
    %while3A_115 = arith.constant 1 : i32
    scf.for %while3A_125 = %while3A_113 to %while3A_109 step %while3A_115  : i32 {
      %mul3A_126 = arith.muli %while3A_125, %while3A : i32
      %add3A_127 = arith.addi %while3A_106, %mul3A_126 : i32
      %add3A_128 = arith.constant 0 : i32
      %add3A_129 = arith.addi %add3A_127, %add3A_128 : i32
      %lt3A = arith.cmpi slt, %add3A_129, %select_n3A : i32
      %convert_element_type3A_130 = arith.extui %lt3A : i1 to i32
      %cond3A_131 = arith.constant 0 : i32
      %cond3A_132 = arith.cmpi ne, %convert_element_type3A_130, %cond3A_131 : i32
      scf.if %cond3A_132 {
        %gt3A_151 = arith.constant 0 : i32
        %gt3A_152 = arith.cmpi sgt, %add3A_127, %gt3A_151 : i32
        %convert_element_type3A_153 = arith.extui %gt3A_152 : i1 to i32
        %cond3A_154 = arith.constant 0 : i32
        %cond3A_155 = arith.cmpi ne, %convert_element_type3A_153, %cond3A_154 : i32
        scf.if %cond3A_155 {
          %dma_wait3A_211 = arith.constant 0 : i32
          %dma_wait3A_212 = arith.constant 0 : i32
          %dma_wait3A_213 = tpu.memref_slice %arg16[%dma_wait3A_211, %dma_wait3A_212] : memref<10112x128xf32, #tpu.memory_space<vmem_shared>> -> memref<10112x128xf32, #tpu.memory_space<vmem_shared>>
          tpu.wait_indirect_dma semaphore(%arg22 : memref<!tpu.dma_semaphore, #tpu.memory_space<semaphore_mem>>) src(%arg14 : memref<64x128xf32, #tpu.memory_space<vmem>>) dst(%dma_wait3A_213 : memref<10112x128xf32, #tpu.memory_space<vmem_shared>>)
        } else {
        }
        %add3A_156 = arith.constant 0 : i32
        %add3A_157 = arith.addi %add3A_127, %add3A_156 : i32
        %mul3A_158 = arith.constant 64 : i32
        %mul3A_159 = arith.muli %add3A_157, %mul3A_158 : i32
        %multiple_of3A_160 = tpu.assume_multiple %mul3A_159, 64 : i32
        %add3A_161 = arith.constant 0 : i32
        %add3A_162 = arith.addi %multiple_of3A_160, %add3A_161 : i32
        %get3A_163 = arith.index_cast %add3A_162 : i32 to index
        %get3A_164 = tpu.vector_load %arg8[%get3A_163] {strides = array<i32>} : memref<10064xi32, #tpu.memory_space<vmem>>, vector<16xi32>,
        %swap3A = arith.constant 0 : index
        %swap3A_165 = tpu.vector_load %arg11[%swap3A] {strides = array<i32>} : memref<64xi32, #tpu.memory_space<vmem>>, vector<16xi32>,
        tpu.vector_store %arg11[%swap3A], %get3A_164 {strides = array<i32>} : memref<64xi32, #tpu.memory_space<vmem>>, vector<16xi32>,
        %add3A_166 = arith.constant 0 : i32
        %add3A_167 = arith.addi %multiple_of3A_160, %add3A_166 : i32
        %get3A_168 = arith.index_cast %add3A_167 : i32 to index
        %get3A_169 = tpu.vector_load %arg7[%get3A_168] {strides = array<i32>} : memref<10064xi32, #tpu.memory_space<vmem>>, vector<16xi32>,
        %swap3A_170 = arith.constant 0 : index
        %swap3A_171 = tpu.vector_load %arg10[%swap3A_170] {strides = array<i32>} : memref<64xi32, #tpu.memory_space<vmem>>, vector<16xi32>,
        tpu.vector_store %arg10[%swap3A_170], %get3A_169 {strides = array<i32>} : memref<64xi32, #tpu.memory_space<vmem>>, vector<16xi32>,
        %add3A_172 = arith.constant 16 : i32
        %add3A_173 = arith.addi %multiple_of3A_160, %add3A_172 : i32
        %get3A_174 = arith.index_cast %add3A_173 : i32 to index
        %get3A_175 = tpu.vector_load %arg8[%get3A_174] {strides = array<i32>} : memref<10064xi32, #tpu.memory_space<vmem>>, vector<16xi32>,
        %swap3A_176 = arith.constant 16 : index
        %swap3A_177 = tpu.vector_load %arg11[%swap3A_176] {strides = array<i32>} : memref<64xi32, #tpu.memory_space<vmem>>, vector<16xi32>,
        tpu.vector_store %arg11[%swap3A_176], %get3A_175 {strides = array<i32>} : memref<64xi32, #tpu.memory_space<vmem>>, vector<16xi32>,
        %add3A_178 = arith.constant 16 : i32
        %add3A_179 = arith.addi %multiple_of3A_160, %add3A_178 : i32
        %get3A_180 = arith.index_cast %add3A_179 : i32 to index
        %get3A_181 = tpu.vector_load %arg7[%get3A_180] {strides = array<i32>} : memref<10064xi32, #tpu.memory_space<vmem>>, vector<16xi32>,
        %swap3A_182 = arith.constant 16 : index
        %swap3A_183 = tpu.vector_load %arg10[%swap3A_182] {strides = array<i32>} : memref<64xi32, #tpu.memory_space<vmem>>, vector<16xi32>,
        tpu.vector_store %arg10[%swap3A_182], %get3A_181 {strides = array<i32>} : memref<64xi32, #tpu.memory_space<vmem>>, vector<16xi32>,
        %add3A_184 = arith.constant 32 : i32
        %add3A_185 = arith.addi %multiple_of3A_160, %add3A_184 : i32
        %get3A_186 = arith.index_cast %add3A_185 : i32 to index
        %get3A_187 = tpu.vector_load %arg8[%get3A_186] {strides = array<i32>} : memref<10064xi32, #tpu.memory_space<vmem>>, vector<16xi32>,
        %swap3A_188 = arith.constant 32 : index
        %swap3A_189 = tpu.vector_load %arg11[%swap3A_188] {strides = array<i32>} : memref<64xi32, #tpu.memory_space<vmem>>, vector<16xi32>,
        tpu.vector_store %arg11[%swap3A_188], %get3A_187 {strides = array<i32>} : memref<64xi32, #tpu.memory_space<vmem>>, vector<16xi32>,
        %add3A_190 = arith.constant 32 : i32
        %add3A_191 = arith.addi %multiple_of3A_160, %add3A_190 : i32
        %get3A_192 = arith.index_cast %add3A_191 : i32 to index
        %get3A_193 = tpu.vector_load %arg7[%get3A_192] {strides = array<i32>} : memref<10064xi32, #tpu.memory_space<vmem>>, vector<16xi32>,
        %swap3A_194 = arith.constant 32 : index
        %swap3A_195 = tpu.vector_load %arg10[%swap3A_194] {strides = array<i32>} : memref<64xi32, #tpu.memory_space<vmem>>, vector<16xi32>,
        tpu.vector_store %arg10[%swap3A_194], %get3A_193 {strides = array<i32>} : memref<64xi32, #tpu.memory_space<vmem>>, vector<16xi32>,
        %add3A_196 = arith.constant 48 : i32
        %add3A_197 = arith.addi %multiple_of3A_160, %add3A_196 : i32
        %get3A_198 = arith.index_cast %add3A_197 : i32 to index
        %get3A_199 = tpu.vector_load %arg8[%get3A_198] {strides = array<i32>} : memref<10064xi32, #tpu.memory_space<vmem>>, vector<16xi32>,
        %swap3A_200 = arith.constant 48 : index
        %swap3A_201 = tpu.vector_load %arg11[%swap3A_200] {strides = array<i32>} : memref<64xi32, #tpu.memory_space<vmem>>, vector<16xi32>,
        tpu.vector_store %arg11[%swap3A_200], %get3A_199 {strides = array<i32>} : memref<64xi32, #tpu.memory_space<vmem>>, vector<16xi32>,
        %add3A_202 = arith.constant 48 : i32
        %add3A_203 = arith.addi %multiple_of3A_160, %add3A_202 : i32
        %get3A_204 = arith.index_cast %add3A_203 : i32 to index
        %get3A_205 = tpu.vector_load %arg7[%get3A_204] {strides = array<i32>} : memref<10064xi32, #tpu.memory_space<vmem>>, vector<16xi32>,
        %swap3A_206 = arith.constant 48 : index
        %swap3A_207 = tpu.vector_load %arg10[%swap3A_206] {strides = array<i32>} : memref<64xi32, #tpu.memory_space<vmem>>, vector<16xi32>,
        tpu.vector_store %arg10[%swap3A_206], %get3A_205 {strides = array<i32>} : memref<64xi32, #tpu.memory_space<vmem>>, vector<16xi32>,
        %dma_start3A_208 = arith.constant 0 : i32
        %dma_start3A_209 = arith.constant 0 : i32
        %dma_start3A_210 = tpu.memref_slice %arg2[%dma_start3A_208, %dma_start3A_209] : memref<10000x128xf32, #tpu.memory_space<hbm>> -> memref<10000x128xf32, #tpu.memory_space<hbm>>
        tpu.enqueue_indirect_dma source(%dma_start3A_210 : memref<10000x128xf32, #tpu.memory_space<hbm>>) target(%arg14 : memref<64x128xf32, #tpu.memory_space<vmem>>) offsets(%arg11 : memref<64xi32, #tpu.memory_space<vmem>>) semaphore(%arg20 : memref<!tpu.dma_semaphore, #tpu.memory_space<semaphore_mem>>)
      } else {
      }
      %add3A_133 = arith.constant 1 : i32
      %add3A_134 = arith.addi %add3A_127, %add3A_133 : i32
      %lt3A_135 = arith.cmpi slt, %add3A_134, %select_n3A : i32
      %convert_element_type3A_136 = arith.extui %lt3A_135 : i1 to i32
      %cond3A_137 = arith.constant 0 : i32
      %cond3A_138 = arith.cmpi ne, %convert_element_type3A_136, %cond3A_137 : i32
      scf.if %cond3A_138 {
        %gt3A_151 = arith.constant 0 : i32
        %gt3A_152 = arith.cmpi sgt, %add3A_127, %gt3A_151 : i32
        %convert_element_type3A_153 = arith.extui %gt3A_152 : i1 to i32
        %cond3A_154 = arith.constant 0 : i32
        %cond3A_155 = arith.cmpi ne, %convert_element_type3A_153, %cond3A_154 : i32
        scf.if %cond3A_155 {
          %dma_wait3A_211 = arith.constant 0 : i32
          %dma_wait3A_212 = arith.constant 0 : i32
          %dma_wait3A_213 = tpu.memref_slice %arg16[%dma_wait3A_211, %dma_wait3A_212] : memref<10112x128xf32, #tpu.memory_space<vmem_shared>> -> memref<10112x128xf32, #tpu.memory_space<vmem_shared>>
          tpu.wait_indirect_dma semaphore(%arg23 : memref<!tpu.dma_semaphore, #tpu.memory_space<semaphore_mem>>) src(%arg15 : memref<64x128xf32, #tpu.memory_space<vmem>>) dst(%dma_wait3A_213 : memref<10112x128xf32, #tpu.memory_space<vmem_shared>>)
        } else {
        }
        %add3A_156 = arith.constant 1 : i32
        %add3A_157 = arith.addi %add3A_127, %add3A_156 : i32
        %mul3A_158 = arith.constant 64 : i32
        %mul3A_159 = arith.muli %add3A_157, %mul3A_158 : i32
        %multiple_of3A_160 = tpu.assume_multiple %mul3A_159, 64 : i32
        %add3A_161 = arith.constant 0 : i32
        %add3A_162 = arith.addi %multiple_of3A_160, %add3A_161 : i32
        %get3A_163 = arith.index_cast %add3A_162 : i32 to index
        %get3A_164 = tpu.vector_load %arg8[%get3A_163] {strides = array<i32>} : memref<10064xi32, #tpu.memory_space<vmem>>, vector<16xi32>,
        %swap3A = arith.constant 0 : index
        %swap3A_165 = tpu.vector_load %arg13[%swap3A] {strides = array<i32>} : memref<64xi32, #tpu.memory_space<vmem>>, vector<16xi32>,
        tpu.vector_store %arg13[%swap3A], %get3A_164 {strides = array<i32>} : memref<64xi32, #tpu.memory_space<vmem>>, vector<16xi32>,
        %add3A_166 = arith.constant 0 : i32
        %add3A_167 = arith.addi %multiple_of3A_160, %add3A_166 : i32
        %get3A_168 = arith.index_cast %add3A_167 : i32 to index
        %get3A_169 = tpu.vector_load %arg7[%get3A_168] {strides = array<i32>} : memref<10064xi32, #tpu.memory_space<vmem>>, vector<16xi32>,
        %swap3A_170 = arith.constant 0 : index
        %swap3A_171 = tpu.vector_load %arg12[%swap3A_170] {strides = array<i32>} : memref<64xi32, #tpu.memory_space<vmem>>, vector<16xi32>,
        tpu.vector_store %arg12[%swap3A_170], %get3A_169 {strides = array<i32>} : memref<64xi32, #tpu.memory_space<vmem>>, vector<16xi32>,
        %add3A_172 = arith.constant 16 : i32
        %add3A_173 = arith.addi %multiple_of3A_160, %add3A_172 : i32
        %get3A_174 = arith.index_cast %add3A_173 : i32 to index
        %get3A_175 = tpu.vector_load %arg8[%get3A_174] {strides = array<i32>} : memref<10064xi32, #tpu.memory_space<vmem>>, vector<16xi32>,
        %swap3A_176 = arith.constant 16 : index
        %swap3A_177 = tpu.vector_load %arg13[%swap3A_176] {strides = array<i32>} : memref<64xi32, #tpu.memory_space<vmem>>, vector<16xi32>,
        tpu.vector_store %arg13[%swap3A_176], %get3A_175 {strides = array<i32>} : memref<64xi32, #tpu.memory_space<vmem>>, vector<16xi32>,
        %add3A_178 = arith.constant 16 : i32
        %add3A_179 = arith.addi %multiple_of3A_160, %add3A_178 : i32
        %get3A_180 = arith.index_cast %add3A_179 : i32 to index
        %get3A_181 = tpu.vector_load %arg7[%get3A_180] {strides = array<i32>} : memref<10064xi32, #tpu.memory_space<vmem>>, vector<16xi32>,
        %swap3A_182 = arith.constant 16 : index
        %swap3A_183 = tpu.vector_load %arg12[%swap3A_182] {strides = array<i32>} : memref<64xi32, #tpu.memory_space<vmem>>, vector<16xi32>,
        tpu.vector_store %arg12[%swap3A_182], %get3A_181 {strides = array<i32>} : memref<64xi32, #tpu.memory_space<vmem>>, vector<16xi32>,
        %add3A_184 = arith.constant 32 : i32
        %add3A_185 = arith.addi %multiple_of3A_160, %add3A_184 : i32
        %get3A_186 = arith.index_cast %add3A_185 : i32 to index
        %get3A_187 = tpu.vector_load %arg8[%get3A_186] {strides = array<i32>} : memref<10064xi32, #tpu.memory_space<vmem>>, vector<16xi32>,
        %swap3A_188 = arith.constant 32 : index
        %swap3A_189 = tpu.vector_load %arg13[%swap3A_188] {strides = array<i32>} : memref<64xi32, #tpu.memory_space<vmem>>, vector<16xi32>,
        tpu.vector_store %arg13[%swap3A_188], %get3A_187 {strides = array<i32>} : memref<64xi32, #tpu.memory_space<vmem>>, vector<16xi32>,
        %add3A_190 = arith.constant 32 : i32
        %add3A_191 = arith.addi %multiple_of3A_160, %add3A_190 : i32
        %get3A_192 = arith.index_cast %add3A_191 : i32 to index
        %get3A_193 = tpu.vector_load %arg7[%get3A_192] {strides = array<i32>} : memref<10064xi32, #tpu.memory_space<vmem>>, vector<16xi32>,
        %swap3A_194 = arith.constant 32 : index
        %swap3A_195 = tpu.vector_load %arg12[%swap3A_194] {strides = array<i32>} : memref<64xi32, #tpu.memory_space<vmem>>, vector<16xi32>,
        tpu.vector_store %arg12[%swap3A_194], %get3A_193 {strides = array<i32>} : memref<64xi32, #tpu.memory_space<vmem>>, vector<16xi32>,
        %add3A_196 = arith.constant 48 : i32
        %add3A_197 = arith.addi %multiple_of3A_160, %add3A_196 : i32
        %get3A_198 = arith.index_cast %add3A_197 : i32 to index
        %get3A_199 = tpu.vector_load %arg8[%get3A_198] {strides = array<i32>} : memref<10064xi32, #tpu.memory_space<vmem>>, vector<16xi32>,
        %swap3A_200 = arith.constant 48 : index
        %swap3A_201 = tpu.vector_load %arg13[%swap3A_200] {strides = array<i32>} : memref<64xi32, #tpu.memory_space<vmem>>, vector<16xi32>,
        tpu.vector_store %arg13[%swap3A_200], %get3A_199 {strides = array<i32>} : memref<64xi32, #tpu.memory_space<vmem>>, vector<16xi32>,
        %add3A_202 = arith.constant 48 : i32
        %add3A_203 = arith.addi %multiple_of3A_160, %add3A_202 : i32
        %get3A_204 = arith.index_cast %add3A_203 : i32 to index
        %get3A_205 = tpu.vector_load %arg7[%get3A_204] {strides = array<i32>} : memref<10064xi32, #tpu.memory_space<vmem>>, vector<16xi32>,
        %swap3A_206 = arith.constant 48 : index
        %swap3A_207 = tpu.vector_load %arg12[%swap3A_206] {strides = array<i32>} : memref<64xi32, #tpu.memory_space<vmem>>, vector<16xi32>,
        tpu.vector_store %arg12[%swap3A_206], %get3A_205 {strides = array<i32>} : memref<64xi32, #tpu.memory_space<vmem>>, vector<16xi32>,
        %dma_start3A_208 = arith.constant 0 : i32
        %dma_start3A_209 = arith.constant 0 : i32
        %dma_start3A_210 = tpu.memref_slice %arg2[%dma_start3A_208, %dma_start3A_209] : memref<10000x128xf32, #tpu.memory_space<hbm>> -> memref<10000x128xf32, #tpu.memory_space<hbm>>
        tpu.enqueue_indirect_dma source(%dma_start3A_210 : memref<10000x128xf32, #tpu.memory_space<hbm>>) target(%arg15 : memref<64x128xf32, #tpu.memory_space<vmem>>) offsets(%arg13 : memref<64xi32, #tpu.memory_space<vmem>>) semaphore(%arg21 : memref<!tpu.dma_semaphore, #tpu.memory_space<semaphore_mem>>)
      } else {
      }
      %add3A_139 = arith.constant 0 : i32
      %add3A_140 = arith.addi %add3A_127, %add3A_139 : i32
      %lt3A_141 = arith.cmpi slt, %add3A_140, %select_n3A : i32
      %convert_element_type3A_142 = arith.extui %lt3A_141 : i1 to i32
      %cond3A_143 = arith.constant 0 : i32
      %cond3A_144 = arith.cmpi ne, %convert_element_type3A_142, %cond3A_143 : i32
      scf.if %cond3A_144 {
        %dma_wait3A_151 = arith.constant 0 : i32
        %dma_wait3A_152 = arith.constant 0 : i32
        %dma_wait3A_153 = tpu.memref_slice %arg2[%dma_wait3A_151, %dma_wait3A_152] : memref<10000x128xf32, #tpu.memory_space<hbm>> -> memref<10000x128xf32, #tpu.memory_space<hbm>>
        tpu.wait_indirect_dma semaphore(%arg20 : memref<!tpu.dma_semaphore, #tpu.memory_space<semaphore_mem>>) src(%dma_wait3A_153 : memref<10000x128xf32, #tpu.memory_space<hbm>>) dst(%arg14 : memref<64x128xf32, #tpu.memory_space<vmem>>)
        %dma_start3A_154 = arith.constant 0 : i32
        %dma_start3A_155 = arith.constant 0 : i32
        %dma_start3A_156 = tpu.memref_slice %arg16[%dma_start3A_154, %dma_start3A_155] : memref<10112x128xf32, #tpu.memory_space<vmem_shared>> -> memref<10112x128xf32, #tpu.memory_space<vmem_shared>>
        tpu.enqueue_indirect_dma source(%arg14 : memref<64x128xf32, #tpu.memory_space<vmem>>) target(%dma_start3A_156 : memref<10112x128xf32, #tpu.memory_space<vmem_shared>>) offsets(%arg10 : memref<64xi32, #tpu.memory_space<vmem>>) semaphore(%arg22 : memref<!tpu.dma_semaphore, #tpu.memory_space<semaphore_mem>>) {add = true}
      } else {
      }
      %add3A_145 = arith.constant 1 : i32
      %add3A_146 = arith.addi %add3A_127, %add3A_145 : i32
      %lt3A_147 = arith.cmpi slt, %add3A_146, %select_n3A : i32
      %convert_element_type3A_148 = arith.extui %lt3A_147 : i1 to i32
      %cond3A_149 = arith.constant 0 : i32
      %cond3A_150 = arith.cmpi ne, %convert_element_type3A_148, %cond3A_149 : i32
      scf.if %cond3A_150 {
        %dma_wait3A_151 = arith.constant 0 : i32
        %dma_wait3A_152 = arith.constant 0 : i32
        %dma_wait3A_153 = tpu.memref_slice %arg2[%dma_wait3A_151, %dma_wait3A_152] : memref<10000x128xf32, #tpu.memory_space<hbm>> -> memref<10000x128xf32, #tpu.memory_space<hbm>>
        tpu.wait_indirect_dma semaphore(%arg21 : memref<!tpu.dma_semaphore, #tpu.memory_space<semaphore_mem>>) src(%dma_wait3A_153 : memref<10000x128xf32, #tpu.memory_space<hbm>>) dst(%arg15 : memref<64x128xf32, #tpu.memory_space<vmem>>)
        %dma_start3A_154 = arith.constant 0 : i32
        %dma_start3A_155 = arith.constant 0 : i32
        %dma_start3A_156 = tpu.memref_slice %arg16[%dma_start3A_154, %dma_start3A_155] : memref<10112x128xf32, #tpu.memory_space<vmem_shared>> -> memref<10112x128xf32, #tpu.memory_space<vmem_shared>>
        tpu.enqueue_indirect_dma source(%arg15 : memref<64x128xf32, #tpu.memory_space<vmem>>) target(%dma_start3A_156 : memref<10112x128xf32, #tpu.memory_space<vmem_shared>>) offsets(%arg12 : memref<64xi32, #tpu.memory_space<vmem>>) semaphore(%arg23 : memref<!tpu.dma_semaphore, #tpu.memory_space<semaphore_mem>>) {add = true}
      } else {
      }
    }
    %gt3A = arith.constant 0 : i32
    "tpu.trace_stop"() : () -> ()
    "tpu.trace_start"() <{level = 10 : i32, message = "drain"}> : () -> ()
    %gt3A_116 = arith.cmpi sgt, %select_n3A, %gt3A : i32
    %convert_element_type3A_117 = arith.extui %gt3A_116 : i1 to i32
    %cond3A = arith.constant 0 : i32
    %cond3A_118 = arith.cmpi ne, %convert_element_type3A_117, %cond3A : i32
    scf.if %cond3A_118 {
      %dma_wait3A_125 = arith.constant 0 : i32
      %dma_wait3A_126 = arith.constant 0 : i32
      %dma_wait3A_127 = tpu.memref_slice %arg16[%dma_wait3A_125, %dma_wait3A_126] : memref<10112x128xf32, #tpu.memory_space<vmem_shared>> -> memref<10112x128xf32, #tpu.memory_space<vmem_shared>>
      tpu.wait_indirect_dma semaphore(%arg22 : memref<!tpu.dma_semaphore, #tpu.memory_space<semaphore_mem>>) src(%arg14 : memref<64x128xf32, #tpu.memory_space<vmem>>) dst(%dma_wait3A_127 : memref<10112x128xf32, #tpu.memory_space<vmem_shared>>)
    } else {
    }
    %gt3A_119 = arith.constant 1 : i32
    %gt3A_120 = arith.cmpi sgt, %select_n3A, %gt3A_119 : i32
    %convert_element_type3A_121 = arith.extui %gt3A_120 : i1 to i32
    %cond3A_122 = arith.constant 0 : i32
    %cond3A_123 = arith.cmpi ne, %convert_element_type3A_121, %cond3A_122 : i32
    scf.if %cond3A_123 {
      %dma_wait3A_125 = arith.constant 0 : i32
      %dma_wait3A_126 = arith.constant 0 : i32
      %dma_wait3A_127 = tpu.memref_slice %arg16[%dma_wait3A_125, %dma_wait3A_126] : memref<10112x128xf32, #tpu.memory_space<vmem_shared>> -> memref<10112x128xf32, #tpu.memory_space<vmem_shared>>
      tpu.wait_indirect_dma semaphore(%arg23 : memref<!tpu.dma_semaphore, #tpu.memory_space<semaphore_mem>>) src(%arg15 : memref<64x128xf32, #tpu.memory_space<vmem>>) dst(%dma_wait3A_127 : memref<10112x128xf32, #tpu.memory_space<vmem_shared>>)
    } else {
    }
    "tpu.trace_stop"() : () -> ()
    "tpu.trace_start"() <{level = 10 : i32, message = "barrier2"}> : () -> ()
    %barrier3A_124 = arith.constant 0 : index
    tpu.barrier barrier_id(%barrier3A_124)
    "tpu.trace_stop"() : () -> ()
    "tpu.trace_start"() <{level = 10 : i32, message = "writeback"}> : () -> ()
    "tpu.region"() ({
      %run_scoped3A = tpu.sem_alloc : memref<!tpu.dma_semaphore, #tpu.memory_space<semaphore_mem>>
      %dma_start3A_125 = arith.constant 0 : i32
      %dma_start3A_126 = tpu.memref_slice %arg6[%arg0, %multiple_of3A_5, %dma_start3A_125] : memref<2x10112x128xf32, #tpu.memory_space<hbm>> -> memref<1x632x128xf32, #tpu.memory_space<hbm>>
      %dma_start3A_127 = tpu.memref_squeeze %dma_start3A_126 : memref<1x632x128xf32, #tpu.memory_space<hbm>> -> memref<632x128xf32, #tpu.memory_space<hbm>>
      %dma_start3A_128 = arith.constant 0 : i32
      %dma_start3A_129 = tpu.memref_slice %arg16[%multiple_of3A_5, %dma_start3A_128] : memref<10112x128xf32, #tpu.memory_space<vmem_shared>> -> memref<632x128xf32, #tpu.memory_space<vmem_shared>>
      tpu.enqueue_dma source(%dma_start3A_129 : memref<632x128xf32, #tpu.memory_space<vmem_shared>>) target(%dma_start3A_127 : memref<632x128xf32, #tpu.memory_space<hbm>>) target_semaphore(%run_scoped3A : memref<!tpu.dma_semaphore, #tpu.memory_space<semaphore_mem>>)
      %dma_wait3A_130 = arith.constant 0 : i32
      %dma_wait3A_131 = tpu.memref_slice %arg6[%arg0, %multiple_of3A_5, %dma_wait3A_130] : memref<2x10112x128xf32, #tpu.memory_space<hbm>> -> memref<1x632x128xf32, #tpu.memory_space<hbm>>
      %dma_wait3A_132 = tpu.memref_squeeze %dma_wait3A_131 : memref<1x632x128xf32, #tpu.memory_space<hbm>> -> memref<632x128xf32, #tpu.memory_space<hbm>>
      %dma_wait3A_133 = arith.constant 0 : i32
      %dma_wait3A_134 = tpu.memref_slice %arg16[%multiple_of3A_5, %dma_wait3A_133] : memref<10112x128xf32, #tpu.memory_space<vmem_shared>> -> memref<632x128xf32, #tpu.memory_space<vmem_shared>>
      tpu.wait_dma2 semaphore(%run_scoped3A : memref<!tpu.dma_semaphore, #tpu.memory_space<semaphore_mem>>) src(%dma_wait3A_134 : memref<632x128xf32, #tpu.memory_space<vmem_shared>>) dst(%dma_wait3A_132 : memref<632x128xf32, #tpu.memory_space<hbm>>)
      tpu.yield
    }) : () -> ()
    "tpu.trace_stop"() : () -> ()
    return
  }
}

module attributes {stable_mosaic.version = 14 : i64} {
  func.func @_linear_mask_body(%arg0: memref<10000x128xf32, #tpu.memory_space<vmem>>, %arg1: memref<10000x1xi32, #tpu.memory_space<vmem>>, %arg2: memref<128x128xf32, #tpu.memory_space<vmem>>, %arg3: memref<1x128xf32, #tpu.memory_space<vmem>>, %arg4: memref<10000x128xf32, #tpu.memory_space<vmem>>) attributes {dimension_semantics = [], scalar_prefetch = 0 : i64, scratch_operands = 0 : i64, tpu.core_type = #tpu.core_type<tc>} {
    %get3A = arith.constant 0 : index
    %get3A_0 = arith.constant 0 : index
    %get3A_1 = vector.load %arg0[%get3A, %get3A_0] : memref<10000x128xf32, #tpu.memory_space<vmem>>, vector<10000x128xf32>
    %get3A_2 = arith.constant 0 : index
    %get3A_3 = arith.constant 0 : index
    %get3A_4 = vector.load %arg2[%get3A_2, %get3A_3] : memref<128x128xf32, #tpu.memory_space<vmem>>, vector<128x128xf32>
    %dot_general3A = arith.constant dense<0.000000e+00> : vector<10000x128xf32>
    %dot_general3A_5 = tpu.matmul %get3A_1, %get3A_4, %dot_general3A {dimension_numbers = #tpu.dot_dimension_numbers<[1], [1], [0], [0], [0, 0, 1, 0], [], []>, transpose_lhs_hint = false} : vector<10000x128xf32>, vector<128x128xf32>, vector<10000x128xf32> -> vector<10000x128xf32>
    %get3A_6 = arith.constant 0 : index
    %get3A_7 = arith.constant 0 : index
    %get3A_8 = vector.load %arg3[%get3A_6, %get3A_7] : memref<1x128xf32, #tpu.memory_space<vmem>>, vector<1x128xf32>
    %add3A = vector.broadcast %get3A_8 : vector<1x128xf32> to vector<10000x128xf32>
    %add3A_9 = arith.addf %dot_general3A_5, %add3A : vector<10000x128xf32>
    %get3A_10 = arith.constant 0 : index
    %get3A_11 = arith.constant 0 : index
    %get3A_12 = vector.load %arg1[%get3A_10, %get3A_11] : memref<10000x1xi32, #tpu.memory_space<vmem>>, vector<10000x1xi32>
    %le3A = arith.constant 1000 : i32
    %le3A_13 = vector.broadcast %le3A : i32 to vector<10000x1xi32>
    %le3A_14 = arith.cmpi sle, %get3A_12, %le3A_13 : vector<10000x1xi32>
    %convert_element_type3A = arith.extui %le3A_14 : vector<10000x1xi1> to vector<10000x1xi32>
    %convert_element_type3A_15 = arith.sitofp %convert_element_type3A : vector<10000x1xi32> to vector<10000x1xf32>
    %mul3A = vector.broadcast %convert_element_type3A_15 : vector<10000x1xf32> to vector<10000x128xf32>
    %mul3A_16 = arith.mulf %add3A_9, %mul3A : vector<10000x128xf32>
    %swap3A = arith.constant 0 : index
    %swap3A_17 = arith.constant 0 : index
    %swap3A_18 = vector.load %arg4[%swap3A, %swap3A_17] : memref<10000x128xf32, #tpu.memory_space<vmem>>, vector<10000x128xf32>
    tpu.vector_store %arg4[%swap3A, %swap3A_17], %mul3A_16 {strides = array<i32>} : memref<10000x128xf32, #tpu.memory_space<vmem>>, vector<10000x128xf32>,
    return
  }
}

module attributes {stable_mosaic.version = 14 : i64} {
  func.func @_combine_body(%arg0: i32, %arg1: memref<2x2000x128xf32, #tpu.memory_space<vmem>>, %arg2: memref<2000x128xf32, #tpu.memory_space<vmem>>) attributes {dimension_semantics = [#tpu.dimension_semantics<arbitrary>], iteration_bounds = array<i64: 5>, scalar_prefetch = 0 : i64, scratch_operands = 0 : i64, tpu.core_type = #tpu.core_type<tc>, window_params = [{transform_indices = @transform_0, window_bounds = array<i64: 2, 2000, 128>}, {transform_indices = @transform_1, window_bounds = array<i64: 2000, 128>}]} {
    %get3A = arith.constant 0 : index
    %get3A_0 = arith.constant 0 : index
    %get3A_1 = arith.constant 0 : index
    %get3A_2 = vector.load %arg1[%get3A, %get3A_0, %get3A_1] : memref<2x2000x128xf32, #tpu.memory_space<vmem>>, vector<1x2000x128xf32>
    %get3A_3 = vector.shape_cast %get3A_2 : vector<1x2000x128xf32> to vector<2000x128xf32>
    %get3A_4 = arith.constant 1 : index
    %get3A_5 = arith.constant 0 : index
    %get3A_6 = arith.constant 0 : index
    %get3A_7 = vector.load %arg1[%get3A_4, %get3A_5, %get3A_6] : memref<2x2000x128xf32, #tpu.memory_space<vmem>>, vector<1x2000x128xf32>
    %get3A_8 = vector.shape_cast %get3A_7 : vector<1x2000x128xf32> to vector<2000x128xf32>
    %add3A = arith.addf %get3A_3, %get3A_8 : vector<2000x128xf32>
    %swap3A = arith.constant 0 : index
    %swap3A_9 = arith.constant 0 : index
    %swap3A_10 = vector.load %arg2[%swap3A, %swap3A_9] : memref<2000x128xf32, #tpu.memory_space<vmem>>, vector<2000x128xf32>
    tpu.vector_store %arg2[%swap3A, %swap3A_9], %add3A {strides = array<i32>} : memref<2000x128xf32, #tpu.memory_space<vmem>>, vector<2000x128xf32>,
    return
  }
  func.func @transform_0(%arg0: i32) -> (i32, i32, i32) {
    %c0_i32 = arith.constant 0 : i32
    %c0_i32_0 = arith.constant 0 : i32
    %c0_i32_1 = arith.constant 0 : i32
    return %c0_i32, %arg0, %c0_i32_0 : i32, i32, i32
  }
  func.func @transform_1(%arg0: i32) -> (i32, i32) {
    %c0_i32 = arith.constant 0 : i32
    %c0_i32_0 = arith.constant 0 : i32
    return %arg0, %c0_i32 : i32, i32
  }
}

</mosaic_0001>

<sc_bundles>
// kernel: kernel.5.cloned.1.call-start
scs
__scs_entry_jumppad:
0x0: {  	(pc) =	sbr.rel $0x88, $3  }
0x1: {  	(tag) =	ssettag $0x0;
	lr =	simm.s32 $0x1  }
0x2: {  	[smem:$0x3F9C] =	sst lr;
	_ =	strace $0xD0000000  }
0x3: {  	_ = 	snop  }
0x4: {  	_ = 	snop  }
0x5: {  	_ = 	snop  }
0x6: {  	_ = 	snop  }
0x7: {  	_ = 	snop  }
__scs_overlays_trampoline_lowered:
0x8: {  	[smem:$0x3FAB] =	sst s0  }
0x9: {  	[smem:$0x3FAC] =	sst s1  }
0xa: {  	[smem:$0x3FAD] =	sst s2  }
0xb: {  	[smem:$0x3FAE] =	sst s3  }
0xc: {  	[smem:$0x3FAF] =	sst s4  }
0xd: {  	[smem:$0x3FB0] =	sst s5  }
0xe: {  	[smem:$0x3FB1] =	sst s6  }
0xf: {  	[smem:$0x3FB2] =	sst s7  }
0x10: {  	[smem:$0x3FB3] =	sst s8  }
0x11: {  	[smem:$0x3FB4] =	sst s9;
	s0 =	simm.s32 @!p0 $0x0  }
0x12: {  	s1 =	sld [smem:$0x3F9A];
	s0 =	simm.s32 @p0 $0x1  }
0x13: {  	[smem:$0x3FB5] =	sst s0;
	s0 =	simm.s32 @!p1 $0x0  }
0x14: {  	s2 =	sld [smem:$0x3F99];
	s0 =	simm.s32 @p1 $0x1  }
0x15: {  	[smem:$0x3FB6] =	sst s0;
	s0 =	simm.s32 @!p2 $0x0  }
0x16: {  	s3 =	sld [smem:$0x3FDB];
	s0 =	simm.s32 @p2 $0x1  }
0x17: {  	s4 =	simm.s32 $0x1BF5;
	[smem:$0x3FB8] =	sst s0  }
0x18: {  	s0 =	sld [smem:$0x3F9B];
	_ =	swait.ge [sflag:s4], $0x0  }
0x19: {  	s7 =	sld [smem:$0x3F9C]  }
0x1a: {  	s8 =	sadd.s32 $0xFFFFE003, lr  }
0x1b: {  	s9 =	sadd.s32 $0xFFFFFEF7, lr;
	s5 =	simm.s32 $0xFFFFFFFF;
	p2 =	slt.u32 s8, $0xFFFFF086  }
0x1c: {  	p1 =	slt.u32 s9, $0xF7A;
	s5 =	simm.s32 @!p2 $0x0  }
0x1d: {  	s5 =	simm.s32 @p1 $0x1;
	p0 =	seq.s32 s7, s2  }
0x1e: {  	s7 =	smul.u32 @!p0 $0xF7A, s2;
	p2 =	seq.s32 @!p0 s5, $0x0  }
0x1f: {  	s9 =	smul.u32 $0xF7A, s1;
	s8 =	simm.s32 @!p0 $0x1BF5;
	p2 =	por !p2, p0  }
0x20: {  	[sflag:s8] =	ssyncset.s32 @!p0 $0xFFFFF086;
	s6 =	sadd.s32 @!p0 s3, s7;
	s7 =	simm.s32 @!p0 $0x108  }
0x21: {  	s3 =	sadd.s32 s3, s9;
	s6 =	sadd.s32 @!p0 $0x88, s6;
	s7 =	simm.s32 @p2 $0x1082  }
0x22: {  	[simem:s7], [sflag:s8] =	dma.local @!p0 [hbm:s6], $0xF7A  }
0x23: {  	s9 =	sor.u32 $0xD0000000, s2;
	s6 =	simm.s32 $0x108;
	_ =	swait.ge @!p0 [sflag:s8], $0x0  }
0x24: {  	s3 =	sadd.s32 $0x88, s3;
	s6 =	simm.s32 @!p1 $0x1082;
	[sflag:s4] =	ssyncset.s32 $0xFFFFF086  }
0x25: {  	[simem:s6], [sflag:s4] =	dma.local [hbm:s3], $0xF7A  }
0x26: {  	[smem:$0x3F9C] =	sst s1;
	(tag) =	ssettag s2;
	_ =	strace s9  }
0x27: {  	s1 =	sld [smem:$0x3FAC]  }
0x28: {  	s2 =	sld [smem:$0x3FAD]  }
0x29: {  	s4 =	sld [smem:$0x3FAF]  }
0x2a: {  	p0 =	seq.s32 s5, $0x0;
	s5 =	sld [smem:$0x3FB0]  }
0x2b: {  	s6 =	sld [smem:$0x3FB1]  }
0x2c: {  	s7 =	sld [smem:$0x3FB2]  }
0x2d: {  	s3 =	simm.s32 $0x108;
	s8 =	sld [smem:$0x3FB3]  }
0x2e: {  	s3 =	simm.s32 @!p0 $0x1082;
	s9 =	sld [smem:$0x3FB4]  }
0x2f: {  	lr =	sadd.s32 s0, s3;
	s0 =	sld [smem:$0x3FAB]  }
0x30: {  	s3 =	sld [smem:$0x3FAE]  }
0x31: {  	[smem:$0x3FB7] =	sst s10  }
0x32: {  	s10 =	sld [smem:$0x3FB5];
	_ =	sdelay $0x3  }
0x33: {  	p0 =	seq.s32 s10, $0x1;
	s10 =	sld [smem:$0x3FB7];
	_ =	sdelay $0x3  }
0x34: {  	[smem:$0x3FB7] =	sst s10  }
0x35: {  	s10 =	sld [smem:$0x3FB6];
	_ =	sdelay $0x3  }
0x36: {  	p1 =	seq.s32 s10, $0x1;
	s10 =	sld [smem:$0x3FB7];
	_ =	sdelay $0x3  }
0x37: {  	[smem:$0x3FB7] =	sst s10  }
0x38: {  	s10 =	sld [smem:$0x3FB8]  }
0x39: {  	_ = 	snop;
	(pc) =	sbr.ind lr, $3  }
0x3a: {  	_ = 	snop  }
0x3b: {  	_ = 	snop  }
0x3c: {  	p2 =	seq.s32 s10, $0x1;
	s10 =	sld [smem:$0x3FB7]  }
0x3d: {  	_ =	shalt  }
0x3e: {  	_ =	shalt  }
0x3f: {  	_ =	shalt  }
0x40: {  	_ =	shalt  }
0x41: {  	_ =	shalt  }
0x42: {  	_ =	shalt  }
0x43: {  	_ =	shalt  }
0x44: {  	_ =	shalt  }
0x45: {  	_ =	shalt  }
0x46: {  	_ =	shalt  }
0x47: {  	_ =	shalt  }
0x48: {  	_ =	shalt  }
0x49: {  	_ =	shalt  }
0x4a: {  	_ =	shalt  }
0x4b: {  	_ =	shalt  }
0x4c: {  	_ =	shalt  }
0x4d: {  	_ =	shalt  }
0x4e: {  	_ =	shalt  }
0x4f: {  	_ =	shalt  }
0x50: {  	_ =	shalt  }
0x51: {  	_ =	shalt  }
0x52: {  	_ =	shalt  }
0x53: {  	_ =	shalt  }
0x54: {  	_ =	shalt  }
0x55: {  	_ =	shalt  }
0x56: {  	_ =	shalt  }
0x57: {  	_ =	shalt  }
0x58: {  	_ =	shalt  }
0x59: {  	_ =	shalt  }
0x5a: {  	_ =	shalt  }
0x5b: {  	_ =	shalt  }
0x5c: {  	_ =	shalt  }
0x5d: {  	_ =	shalt  }
0x5e: {  	_ =	shalt  }
0x5f: {  	_ =	shalt  }
0x60: {  	_ =	shalt  }
0x61: {  	_ =	shalt  }
0x62: {  	_ =	shalt  }
0x63: {  	_ =	shalt  }
0x64: {  	_ =	shalt  }
0x65: {  	_ =	shalt  }
0x66: {  	_ =	shalt  }
0x67: {  	_ =	shalt  }
0x68: {  	_ =	shalt  }
0x69: {  	_ =	shalt  }
0x6a: {  	_ =	shalt  }
0x6b: {  	_ =	shalt  }
0x6c: {  	_ =	shalt  }
0x6d: {  	_ =	shalt  }
0x6e: {  	_ =	shalt  }
0x6f: {  	_ =	shalt  }
0x70: {  	_ =	shalt  }
0x71: {  	_ =	shalt  }
0x72: {  	_ =	shalt  }
0x73: {  	_ =	shalt  }
0x74: {  	_ =	shalt  }
0x75: {  	_ =	shalt  }
0x76: {  	_ =	shalt  }
0x77: {  	_ =	shalt  }
0x78: {  	_ =	shalt  }
0x79: {  	_ =	shalt  }
0x7a: {  	_ =	shalt  }
0x7b: {  	_ =	shalt  }
0x7c: {  	_ =	shalt  }
0x7d: {  	_ =	shalt  }
0x7e: {  	_ =	shalt  }
0x7f: {  	_ =	shalt  }
0x80: {  	_ =	shalt  }
0x81: {  	_ =	shalt  }
0x82: {  	_ =	shalt  }
0x83: {  	_ =	shalt  }
0x84: {  	_ =	shalt  }
0x85: {  	_ =	shalt  }
0x86: {  	_ =	shalt  }
0x87: {  	_ =	shalt  }
.Lfunc_end0:
.L_simem_size_0:
called_computation_lowered:
.L_overlay_start_0:
0x88: {  	s2 =	sld [smem:$0x3FD9]  }
0x89: {  	s3 =	sld [smem:$0x3FFE];
	_ =	sdelay $0x1  }
0x8a: {  	s1 =	srdreg.scid  }
0x8b: {  	s0 =	sand.u32 $0x1, s1  }
0x8c: {  	s17 =	sshll.u32 s0, $0xA;
	s2 =	sadd.s32 s3, s2  }
0x8d: {  	s2 =	sadd.s32 s2, s17  }
0x8e: {  	[smem:$0x3FC3] =	sst s2  }
0x8f: {  	_ = 	snop  }
0x90: {  	s2 =	sld [smem:$0x3FD0];
	(tm) =	ssettm $0x1  }
0x91: {  	s18 =	sld [smem:$0x3FFB];
	_ =	sdelay $0x3  }
0x92: {  	_ =	strace s18  }
0x93: {  	s3 =	sld [smem:$0x3FFC];
	_ =	sdelay $0x3  }
0x94: {  	_ =	strace s3  }
0x95: {  	s3 =	sld [smem:$0x3FFD];
	_ =	sdelay $0x3  }
0x96: {  	_ =	strace s3  }
0x97: {  	_ =	strace $0x8FFFFFFF  }
0x98: {  	s19 =	sld [smem:$0x3FDB];
	_ =	sdelay $0x1  }
0x99: {  	s4 =	simm.s32 $_scs_section_size  }
0x9a: {  	s5 =	simm.s32 $_size__tile_overlayer_lowered;
	s6 =	simm.s32 $_tile_overlayer_lowered  }
0x9b: {  	s22 =	simm.s32 $0x1BFF;
	s21 =	sshll.u32 s6, $0x1;
	s3 =	sadd.s32 s4, s19  }
0x9c: {  	s7 =	simm.s32 $0x0;
	s20 =	sshll.u32 s5, $0x1;
	s5 =	sadd.s32 s21, s3  }
0x9d: {  	[timem:s7], [sflag:s22] =	dma.local [hbm:s5], s20  }
0x9e: {  	_ =	swait.ge [sflag:s22], s20  }
0x9f: {  	s4 =	ssub.s32 $0x0, s20;
	[sflag:s22] =	ssyncset.done $0x0  }
0xa0: {  	[sflag:s22] =	ssyncadd.s32 s4;
	_ =	sdelay $0x1  }
0xa1: {  	s23 =	simm.s32 $0x1B8B  }
0xa2: {  	_ =	swait.ge [sflag:s23], $0x1  }
0xa3: {  	[sflag:s23] =	ssyncset.done $0x0  }
0xa4: {  	s25 =	simm.s32 $0x1B8E;
	s24 =	sld [smem:$0x3FFE];
	[sflag:s23] =	ssyncadd.s32 $0xFFFFFFFF  }
0xa5: {  	s26 =	simm.s32 $execute0_lowered;
	[smem:$0x3FD2] =	sst s25  }
0xa6: {  	s5 =	sshll.u32 s26, $0x1;
	_ =	strace $0x80000046;
	[dreg:$0x1] =	wrdreg $0xFFFFFFFF  }
0xa7: {  	s28 =	simm.s32 $_size_execute0_lowered;
	s3 =	sadd.s32 s3, s5;
	[dreg:$0x0] =	wrdreg $0x0  }
0xa8: {  	s5 =	sshll.u32 s28, $0x1;
	[dreg:$0x2] =	wrdreg s3  }
0xa9: {  	[dreg:$0x3] =	wrdreg s5  }
0xaa: {  	[dreg:$0x4] =	wrdreg $0xC0  }
0xab: {  	_ =	task [dreg:s7], $0x5FFFF  }
0xac: {  	[dreg:$0x1] =	wrdreg $0xFFFFFFFF  }
0xad: {  	[dreg:$0x0] =	wrdreg $0x60  }
0xae: {  	[dreg:$0x2] =	wrdreg s2  }
0xaf: {  	[dreg:$0x3] =	wrdreg s24  }
0xb0: {  	[dreg:$0x4] =	wrdreg $0xB8800  }
0xb1: {  	[dreg:$0x5] =	wrdreg $0x9  }
0xb2: {  	_ =	task.clear_ibuf [dreg:s7], $0x6FFFF;
	_ =	strace $0x90000046  }
0xb3: {  	s29 =	simm.s32 $0x9;
	_ =	strace $0x8000004F  }
0xb4: {  	_ =	swait.ge [sflag:s29], $0x1  }
0xb5: {  	[sflag:s29] =	ssyncadd.s32 $0xFFFFFFFF  }
0xb6: {  	_ =	strace $0x9000004F  }
0xb7: {  	_ =	sfence  }
0xb8: {  	s30 =	sld [smem:$0x0];
	_ =	sdelay $0x2  }
0xb9: {  	s31 =	sshll.u32 s1, $0xD;
	s1 =	sshrl.u32 s1, $0x2  }
0xba: {  	s3 =	sand.u32 $0x4000, s31;
	s1 =	sadd.s32 s1, s30  }
0xbb: {  	s0 =	sor.u32 s3, s0;
	s1 =	sshll.u32 s1, $0x11  }
0xbc: {  	s0 =	sor.u32 s1, s0  }
0xbd: {  	s0 =	sadd.s32 $0x8F2B, s0  }
0xbe: {  	[sflag:s0] =	ssyncadd.remote.s32 $0x1  }
0xbf: {  	_ =	sfence.sel $0xFFFF  }
0xc0: {  	[dreg:$0x0] =	wrdreg $0xFFFFFFFF;
	(pc) =	sbr.abs _section_cstart, $3  }
0xc1: {  	[dreg:$0x1] =	wrdreg $0xFFFFFFFF  }
0xc2: {  	_ =	task.clear_ibuf [dreg:s7], $0x2FFFF;
	_ =	strace $0x9FFFFFFF  }
0xc3: {  	(tm) =	ssettm $0x7FFFFFFF  }
tec
execute0_lowered:
.L_overlay_start_1:
0x0: {  	(tag) =	ssettag $0x1  }
0x1: {  	s0 =	srdreg.scid  }
0x2: {  	s1 =	rddreg [dreg:$0x0];
	s29 =	stileid.u32  }
0x3: {  	s7 =	rddreg [dreg:$0x1];
	s12 =	simm.s32 $0x2780;
	s13 =	simm.s32 $0x4F00  }
0x4: {  	s15 =	simm.s32 $0x8;
	s16 =	simm.s32 $0x1;
	s17 =	simm.s32 $0x2  }
0x5: {  	s18 =	simm.s32 $0x3;
	s20 =	simm.s32 $0x0;
	s8 =	smul.u32 $0x13C00, s29  }
0x6: {  	s2 =	sand.u32 $0x1, s0;
	s10 =	smul.u32 $0x4F000, s29;
	s31 =	sshll.u32 s29, $0x6  }
0x7: {  	s3 =	sshll.u32 s2, $0x4;
	s6 =	smul.u32 $0x13C000, s2;
	s2 =	ssub.s32 $0x2, s2  }
0x8: {  	s4 =	sor.u32 s29, s3;
	s3 =	rddreg [dreg:$0x2];
	s30 =	sshrl.u32 s2, $0x1  }
0x9: {  	s10 =	sshrl.u32 s10, $0x2;
	s5 =	smul.u32 $0x2710, s4;
	s4 =	simm.s32 $0x0  }
0xa: {  	s6 =	sadd.s32 s8, s6;
	s2 =	ssub.s32 s2, s30;
	s14 =	sadd.s32 s10, s3  }
.Ltmp0:
0xb: {  	[smem:$0x7FF] =	sst s4;
	s8 =	sshrl.u32 s6, $0x3;
	(pc) =	sbr.rel .LBB2_1-.Ltmp0, $4  }
0xc: {  	s6 =	sadd.s32 $0x14C00, s7;
	s14 =	sshrl.u32 s14, $0x3;
	s5 =	sshrl.u32 s5, $0x3  }
0xd: {  	_ =	strace $0x80000047;
	s11 =	sadd.s32 s8, s7;
	s9 =	sadd.s32 s5, s7  }
0xe: {  	v0 =	vlaneseq.u32;
	s5 =	sadd.s32 $0x14600, s7;
	s10 =	sadd.s32 $0x17400, s11;
	s11 =	smax.u32 s2, $0x1  }
0xf: {  	v1 =	vimm.s32 $0x0;
	v2 =	vor.u32 $0x2710, v0;
	s7 =	sadd.s32 $0xC00, s9;
	s8 =	sadd.s32 $0xA840, s9;
	s9 =	sor.u32 $0x1C08, s31  }
.LBB2_4:
0x10: {  	_ =	strace $0x9000004B  }
0x11: {  	_ =	strace $0x8000004C  }
.LBB2_10:
0x12: {  	_ =	strace $0x9000004C  }
0x13: {  	_ =	strace $0x8000004D  }
0x14: {  	[bflag:$0x0] =	sbarrier.arrive $0xFFFF  }
0x15: {  	s20 =	sadd.s32 $0x1, s20;
	_ =	strace $0x9000004D  }
0x16: {  	p0 =	sne.s32 s20, s11;
	_ =	strace $0x8000004E  }
0x17: {  	[hbm:s10], [sflag:s9] =	dma.local [spmem:s14], $0x2780  }
.Ltmp1:
0x18: {  	_ = 	snop;
	(pc) =	sbr.rel @!p0 .LBB2_11-.Ltmp1, $4  }
0x19: {  	_ =	swait.ge [sflag:s15], $0x2780  }
0x1a: {  	[sflag:s15] =	ssyncset.done $0x0  }
0x1b: {  	[sflag:s15] =	ssyncadd.s32 $0xFFFFD880  }
0x1c: {  	_ =	strace $0x9000004E  }
.LBB2_1:
0x1d: {  	[tilespmem:s4], [sflag:$0x1] =	stream.linear.gather [hbm4b:s7+s4], $0x2710, $0x38;
	[tilespmem:$0x1F480] =	vst v63  }
0x1e: {  	_ = 	snop  }
0x1f: {  	[tilespmem:s12], [sflag:$0x2] =	stream.linear.gather [hbm4b:s8+s4], $0x2710, $0x38;
	[tilespmem:$0x1F480] =	vst v63  }
0x20: {  	_ = 	snop  }
0x21: {  	[tilespmem:s13], [sflag:$0x3] =	stream.linear.gather [hbm4b:s5+s4], $0x2780, $0x38;
	[tilespmem:$0x1F480] =	vst v63  }
0x22: {  	[spmem:s14], [sflag:s9] =	dma.local [hbm:s6], $0x2780  }
0x23: {  	_ =	swait.ge [sflag:s15], $0x2780  }
0x24: {  	[sflag:s15] =	ssyncset.done $0x0  }
0x25: {  	[sflag:s15] =	ssyncadd.s32 $0xFFFFD880  }
0x26: {  	_ =	strace $0x80000048  }
0x27: {  	_ =	swait.ge [sflag:s16], $0x2710  }
0x28: {  	[sflag:s16] =	ssyncset.done $0x0  }
0x29: {  	[sflag:s16] =	ssyncadd.s32 $0xFFFFD8F0  }
0x2a: {  	_ =	swait.ge [sflag:s17], $0x2710  }
0x2b: {  	[sflag:s17] =	ssyncset.done $0x0  }
0x2c: {  	[sflag:s17] =	ssyncadd.s32 $0xFFFFD8F0  }
0x2d: {  	_ =	swait.ge [sflag:s18], $0x2780  }
0x2e: {  	[sflag:s18] =	ssyncset.done $0x0  }
0x2f: {  	[sflag:s18] =	ssyncadd.s32 $0xFFFFD880  }
0x30: {  	_ =	strace $0x90000048  }
0x31: {  	s2 =	simm.s32 $0x0;
	_ =	strace $0x80000049  }
0x32: {  	v3 =	vld [tilespmem:s2+$0x2780];
	_ =	sdelay $0x7  }
0x33: {  	v4 =	vld.idx.msk [tilespmem:v3+s13+$0x0], $0xffff;
	_ =	sdelay $0x4  }
0x34: {  	vm0 =	vlt.s32 v4, $0x3E9  }
0x35: {  	v4 =	vsel vm0, $0x1, v1  }
0x36: {  	(xrf0) =	vadd.scan.msk.s32 $0xffff, v4;
	_ =	sdelay $0x2  }
0x37: {  	v4 =	vmov s4  }
0x38: {  	v4 =	vadd.s32 $0xFFFFFFFF, v4  }
0x39: {  	v4 =	vbroadcast v4, $0x0  }
0x3a: {  	v5, _, _ =	vpop (xrf0)  }
0x3b: {  	v4 =	vadd.s32 v5, v4  }
0x3c: {  	v6 =	vld [tilespmem:s2+$0x0];
	_ =	sdelay $0x3  }
0x3d: {  	[tilespmem:v4+s12+$0x0] =	vst.idx.msk vm0, v3  }
0x3e: {  	[tilespmem:v4+s4+$0x0] =	vst.idx.msk vm0, v6  }
0x3f: {  	v3 =	vld [tilespmem:s2+$0x2790]  }
0x40: {  	(v2sf) =	vpush v5, $0xF;
	_ =	sdelay $0x6  }
0x41: {  	v4 =	vld.idx.msk [tilespmem:v3+s13+$0x0], $0xffff;
	_ =	sdelay $0x4  }
0x42: {  	vm15 =	vlt.s32 v4, $0x3E9  }
0x43: {  	v4 =	vsel vm15, $0x1, v1  }
0x44: {  	(xrf0) =	vadd.scan.msk.s32 $0xffff, v4  }
0x45: {  	s21 =	spop (v2sf)  }
0x46: {  	s24 =	sadd.s32 $0x0, s21  }
0x47: {  	v4 =	vmov s24  }
0x48: {  	v4 =	vadd.s32 $0xFFFFFFFF, v4  }
0x49: {  	v4 =	vbroadcast v4, $0x0  }
0x4a: {  	v5, _, _ =	vpop (xrf0)  }
0x4b: {  	v4 =	vadd.s32 v5, v4;
	(v2sf) =	vpush v5, $0xF  }
0x4c: {  	v5 =	vld [tilespmem:s2+$0x10];
	_ =	sdelay $0x3  }
0x4d: {  	[tilespmem:v4+s12+$0x0] =	vst.idx.msk vm15, v3  }
0x4e: {  	s21 =	simm.s32 $0x20;
	[tilespmem:v4+s4+$0x0] =	vst.idx.msk vm15, v5  }
0x4f: {  	v3 =	vld [tilespmem:s21+$0x2780];
	_ =	sdelay $0x7  }
0x50: {  	s22 =	simm.s32 $0x100;
	v4 =	vld.idx.msk [tilespmem:v3+s13+$0x0], $0xffff;
	s2 =	spop (v2sf)  }
.LBB2_2:
0x51: {  	p0 =	sne.s32 s22, $0x9B80  }
0x52: {  	s2 =	sadd.s32 s24, s2;
	s23 =	smov.u32 s22;
	s22 =	sadd.s32 $0x80, s22  }
0x53: {  	v5 =	vmov s2  }
0x54: {  	v5 =	vadd.s32 $0xFFFFFFFF, v5;
	_ =	sdelay $0x2  }
0x55: {  	vm0 =	vlt.s32 v4, $0x3E9  }
0x56: {  	v4 =	vsel vm0, $0x1, v1  }
0x57: {  	(xrf0) =	vadd.scan.msk.s32 $0xffff, v4;
	_ =	sdelay $0x4  }
0x58: {  	v4 =	vbroadcast v5, $0x0  }
0x59: {  	v5, _, _ =	vpop (xrf0)  }
0x5a: {  	v4 =	vadd.s32 v5, v4;
	(v2sf) =	vpush v5, $0xF  }
0x5b: {  	v5 =	vld [tilespmem:s21+$0x0];
	_ =	sdelay $0x3  }
0x5c: {  	[tilespmem:v4+s12+$0x0] =	vst.idx.msk vm0, v3  }
0x5d: {  	[tilespmem:v4+s4+$0x0] =	vst.idx.msk vm0, v5  }
0x5e: {  	v3 =	vld [tilespmem:s21+$0x2790];
	_ =	sdelay $0x7  }
0x5f: {  	v4 =	vld.idx.msk [tilespmem:v3+s13+$0x0], $0xffff;
	s24 =	spop (v2sf);
	_ =	sdelay $0x5  }
0x60: {  	vm0 =	vlt.s32 v4, $0x3E9  }
0x61: {  	v4 =	vsel vm0, $0x1, v1  }
0x62: {  	(xrf0) =	vadd.scan.msk.s32 $0xffff, v4;
	_ =	sdelay $0x1  }
0x63: {  	s24 =	sadd.s32 s2, s24  }
0x64: {  	v4 =	vmov s24  }
0x65: {  	v4 =	vadd.s32 $0xFFFFFFFF, v4  }
0x66: {  	v4 =	vbroadcast v4, $0x0  }
0x67: {  	v5, _, _ =	vpop (xrf0)  }
0x68: {  	v4 =	vadd.s32 v5, v4;
	(v2sf) =	vpush v5, $0xF  }
0x69: {  	v5 =	vld [tilespmem:s21+$0x10];
	_ =	sdelay $0x3  }
0x6a: {  	[tilespmem:v4+s12+$0x0] =	vst.idx.msk vm0, v3  }
0x6b: {  	s21 =	sshra.s32 s23, $0x2;
	[tilespmem:v4+s4+$0x0] =	vst.idx.msk vm0, v5  }
0x6c: {  	v3 =	vld [tilespmem:s21+$0x2780];
	_ =	sdelay $0x3  }
.Ltmp2:
0x6d: {  	(pc) =	sbr.rel @p0 .LBB2_2-.Ltmp2, $2  }
0x6e: {  	_ =	sdelay $0x2  }
0x6f: {  	v4 =	vld.idx.msk [tilespmem:v3+s13+$0x0], $0xffff;
	s2 =	spop (v2sf)  }
0x70: {  	_ =	sdelay $0x3  }
0x71: {  	vm0 =	vlt.s32 v4, $0x3E9  }
0x72: {  	v4 =	vsel vm0, $0x1, v1  }
0x73: {  	(xrf0) =	vadd.scan.msk.s32 $0xffff, v4;
	_ =	sdelay $0x1  }
0x74: {  	s2 =	sadd.s32 s24, s2  }
0x75: {  	v56 =	vmov s2  }
0x76: {  	v4 =	vadd.s32 $0xFFFFFFFF, v56  }
0x77: {  	v4 =	vbroadcast v4, $0x0  }
0x78: {  	v5, _, _ =	vpop (xrf0)  }
0x79: {  	v4 =	vadd.s32 v5, v4  }
0x7a: {  	v6 =	vld [tilespmem:s21+$0x0];
	_ =	sdelay $0x3  }
0x7b: {  	[tilespmem:v4+s12+$0x0] =	vst.idx.msk vm0, v3  }
0x7c: {  	[tilespmem:v4+s4+$0x0] =	vst.idx.msk vm0, v6  }
0x7d: {  	v3 =	vld [tilespmem:s21+$0x2790]  }
0x7e: {  	(v2sf) =	vpush v5, $0xF;
	_ =	sdelay $0x6  }
0x7f: {  	v4 =	vld.idx.msk [tilespmem:v3+s13+$0x0], $0xffff;
	_ =	sdelay $0x4  }
0x80: {  	vm14 =	vlt.s32 v4, $0x3E9  }
0x81: {  	v4 =	vsel vm14, $0x1, v1  }
0x82: {  	(xrf0) =	vadd.scan.msk.s32 $0xffff, v4  }
0x83: {  	s22 =	spop (v2sf)  }
0x84: {  	s2 =	sadd.s32 s2, s22  }
0x85: {  	v57 =	vmov s2  }
0x86: {  	v4 =	vadd.s32 $0xFFFFFFFF, v57  }
0x87: {  	v4 =	vbroadcast v4, $0x0  }
0x88: {  	v58, _, _ =	vpop (xrf0)  }
0x89: {  	v4 =	vadd.s32 v58, v4  }
0x8a: {  	v6 =	vld [tilespmem:s21+$0x10];
	_ =	sdelay $0x3  }
0x8b: {  	[tilespmem:v4+s12+$0x0] =	vst.idx.msk vm14, v3  }
0x8c: {  	[tilespmem:v4+s4+$0x0] =	vst.idx.msk vm14, v6  }
0x8d: {  	v3 =	vld [tilespmem:$0x4E80];
	_ =	sdelay $0x7  }
0x8e: {  	v4 =	vld.idx.msk [tilespmem:v3+s13+$0x0], $0xffff;
	_ =	sdelay $0x4  }
0x8f: {  	vm15 =	vlt.s32 v4, $0x3E9  }
0x90: {  	v4 =	vsel vm15, $0x1, v1  }
0x91: {  	(v2sf) =	vpush v58, $0xF;
	(xrf0) =	vadd.scan.msk.s32 $0xffff, v4;
	_ =	sdelay $0x5  }
0x92: {  	v4, _, _ =	vpop (xrf0)  }
0x93: {  	(v2sf) =	vpush v4, $0xF;
	_ =	sdelay $0x7  }
0x94: {  	s24 =	spop (v2sf)  }
0x95: {  	s2 =	sadd.s32 s2, s24  }
0x96: {  	v59 =	vmov s2  }
0x97: {  	v5 =	vadd.s32 $0xFFFFFFFF, v59  }
0x98: {  	v5 =	vbroadcast v5, $0x0;
	_ =	sdelay $0x1  }
0x99: {  	v4 =	vadd.s32 v4, v5  }
0x9a: {  	s25 =	spop (v2sf)  }
0x9b: {  	v60 =	vld [tilespmem:$0x2700];
	s2 =	sadd.s32 s2, s25  }
0x9c: {  	v61 =	vadd.s32 s2, v0  }
0x9d: {  	s21 =	sadd.s32 $0x10, s2  }
0x9e: {  	[tilespmem:v4+s12+$0x0] =	vst.idx.msk vm15, v3;
	v3 =	vadd.s32 s21, v0  }
0x9f: {  	s26 =	sadd.s32 $0x20, s2  }
0xa0: {  	[tilespmem:v4+s4+$0x0] =	vst.idx.msk vm15, v60;
	s28 =	sadd.s32 $0x30, s2;
	s2 =	sadd.s32 $0x3F, s2;
	v62 =	vadd.s32 s26, v0  }
0xa1: {  	_ =	strace $0x90000049;
	s29 =	sand.u32 $0x3F, s2;
	[tilespmem:v61+s12+$0x0] =	vst.idx.msk $0xffff, v1  }
0xa2: {  	v63 =	vadd.s32 s28, v0;
	s30 =	sshra.s32 s2, $0x1F;
	p0 =	slt.s32 s2, $0x1;
	p1 =	sne.s32 s29, $0x0;
	[tilespmem:v61+s4+$0x0] =	vst.idx.msk $0xffff, v2  }
0xa3: {  	s31 =	sshrl.u32 s30, $0x1A;
	p0 =	por !p0, !p1;
	[tilespmem:v3+s12+$0x0] =	vst.idx.msk $0xffff, v1  }
0xa4: {  	s21 =	simm.s32 $0x1;
	s2 =	sadd.s32 s31, s2;
	p0 =	por !p0, !p0;
	[tilespmem:v3+s4+$0x0] =	vst.idx.msk $0xffff, v2  }
0xa5: {  	s2 =	sshra.s32 s2, $0x6;
	s21 =	simm.s32 @!p0 $0x0;
	[tilespmem:v62+s12+$0x0] =	vst.idx.msk $0xffff, v1  }
0xa6: {  	s21 =	ssub.s32 s2, s21;
	[tilespmem:v62+s4+$0x0] =	vst.idx.msk $0xffff, v2  }
0xa7: {  	p0 =	sgt.s32 s21, $0x0;
	[tilespmem:v63+s12+$0x0] =	vst.idx.msk $0xffff, v1  }
.Ltmp3:
0xa8: {  	[tilespmem:v63+s4+$0x0] =	vst.idx.msk $0xffff, v2;
	(pc) =	sbr.rel @!p0 .LBB2_4-.Ltmp3, $4  }
0xa9: {  	_ =	strace $0x8000004A  }
0xaa: {  	[bflag:$0x0] =	sbarrier.arrive $0xFFFF  }
0xab: {  	_ =	strace $0x9000004A  }
0xac: {  	_ =	strace $0x8000004B  }
0xad: {  	s2 =	sadd.s32 $0x1, s21  }
0xae: {  	s2 =	sshrl.u32 s2, $0x1  }
0xaf: {  	s26 =	sadd.s32 $0xFFFFFFFF, s2  }
0xb0: {  	p1 =	sne.s32 s26, $0x0  }
.Ltmp4:
0xb1: {  	_ = 	snop;
	(pc) =	sbr.rel @!p1 .LBB2_6-.Ltmp4, $4  }
0xb2: {  	_ = 	snop  }
0xb3: {  	s25 =	simm.s32 $0x1  }
0xb4: {  	s22 =	simm.s32 $0x40;
	s24 =	simm.s32 $0x20;
	p4 =	sle.s32 s21, $0x0  }
0xb5: {  	s23 =	simm.s32 $0x27A0;
	p0 =	por $0x0, $0x0;
	p3 =	por @!p4 $0x1, $0x1  }
0xb6: {  	p1 =	por p3, p4  }
0xb7: {  	s2 =	simm.s32 @!p1 $0x6  }
0xb8: {  	_ =	swait.ge @!p1 [sflag:s2], $0x2000  }
0xb9: {  	[sflag:s2] =	ssyncset.done @!p1 $0x0  }
0xba: {  	p0 =	por p4, p4;
	[sflag:s2] =	ssyncadd.s32 @!p1 $0xFFFFE000  }
0xbb: {  	v3 =	vld @!p0 [tilespmem:s23+$0xFFFFFFE0];
	_ =	sdelay $0x4  }
0xbc: {  	[tilespmem:$0x7700] =	vst @!p0 v3  }
0xbd: {  	v3 =	vld @!p0 [tilespmem:s24+$0xFFFFFFE0];
	_ =	sdelay $0x4  }
0xbe: {  	[tilespmem:$0x7680] =	vst @!p0 v3  }
0xbf: {  	v3 =	vld @!p0 [tilespmem:s23+$0xFFFFFFF0];
	_ =	sdelay $0x4  }
0xc0: {  	[tilespmem:$0x7710] =	vst @!p0 v3  }
0xc1: {  	v3 =	vld @!p0 [tilespmem:s24+$0xFFFFFFF0];
	_ =	sdelay $0x4  }
0xc2: {  	[tilespmem:$0x7690] =	vst @!p0 v3  }
0xc3: {  	v3 =	vld @!p0 [tilespmem:s23+$0x0];
	_ =	sdelay $0x4  }
0xc4: {  	[tilespmem:$0x7720] =	vst @!p0 v3  }
0xc5: {  	v3 =	vld @!p0 [tilespmem:s24+$0x0];
	_ =	sdelay $0x4  }
0xc6: {  	[tilespmem:$0x76A0] =	vst @!p0 v3  }
0xc7: {  	v3 =	vld @!p0 [tilespmem:s23+$0x10];
	_ =	sdelay $0x4  }
0xc8: {  	[tilespmem:$0x7730] =	vst @!p0 v3  }
0xc9: {  	v3 =	vld @!p0 [tilespmem:s24+$0x10];
	_ =	sdelay $0x2  }
0xca: {  	p1 =	sle.s32 s21, $0x1  }
0xcb: {  	s28 =	simm.s32 @!p0 $0x40;
	p2 =	por @!p1 $0x1, $0x1  }
0xcc: {  	s25 =	simm.s32 @!p0 $0x7700;
	s2 =	simm.s32 @!p0 $0x7880;
	p2 =	por p2, p1;
	[tilespmem:$0x76B0] =	vst @!p0 v3  }
0xcd: {  	[tilespmem:s2], [sflag:$0x4] =	stream.indirect.gather @!p0 [hbm4b:s1+s28], $0x80, s25, s28, $0x2000b8;
	[tilespmem:$0x1F480] =	vst v63  }
0xce: {  	s25 =	simm.s32 @!p2 $0x7  }
0xcf: {  	_ =	swait.ge @!p2 [sflag:s25], $0x2000  }
0xd0: {  	[sflag:s25] =	ssyncset.done @!p2 $0x0  }
0xd1: {  	[sflag:s25] =	ssyncadd.s32 @!p2 $0xFFFFE000  }
0xd2: {  	v3 =	vld @!p1 [tilespmem:s23+$0x20];
	_ =	sdelay $0x4  }
0xd3: {  	[tilespmem:$0x7800] =	vst @!p1 v3  }
0xd4: {  	v3 =	vld @!p1 [tilespmem:s24+$0x20];
	_ =	sdelay $0x4  }
0xd5: {  	s23 =	sor.u32 @!p1 $0x50, s22;
	[tilespmem:$0x7780] =	vst @!p1 v3  }
0xd6: {  	v3 =	vld @!p1 [tilespmem:s23+$0x2780];
	_ =	sdelay $0x4  }
0xd7: {  	[tilespmem:$0x7810] =	vst @!p1 v3  }
0xd8: {  	v3 =	vld @!p1 [tilespmem:s23+$0x0];
	_ =	sdelay $0x4  }
0xd9: {  	s23 =	sor.u32 @!p1 $0x60, s22;
	[tilespmem:$0x7790] =	vst @!p1 v3  }
0xda: {  	v3 =	vld @!p1 [tilespmem:s23+$0x2780];
	_ =	sdelay $0x4  }
0xdb: {  	[tilespmem:$0x7820] =	vst @!p1 v3  }
0xdc: {  	v3 =	vld @!p1 [tilespmem:s23+$0x0];
	_ =	sdelay $0x4  }
0xdd: {  	s22 =	sor.u32 @!p1 $0x70, s22;
	[tilespmem:$0x77A0] =	vst @!p1 v3  }
0xde: {  	v3 =	vld @!p1 [tilespmem:s22+$0x2780];
	_ =	sdelay $0x4  }
0xdf: {  	[tilespmem:$0x7830] =	vst @!p1 v3  }
0xe0: {  	v3 =	vld @!p1 [tilespmem:s22+$0x0];
	_ =	sdelay $0x3  }
0xe1: {  	s26 =	sadd.s32 $0xFFFFFFFF, s26;
	s30 =	simm.s32 @!p1 $0x40  }
0xe2: {  	s31 =	simm.s32 @!p1 $0x9880;
	s23 =	simm.s32 @!p1 $0x7800;
	s22 =	simm.s32 @!p0 $0x4;
	[tilespmem:$0x77B0] =	vst @!p1 v3  }
0xe3: {  	[tilespmem:s31], [sflag:$0x5] =	stream.indirect.gather @!p1 [hbm4b:s1+s30], $0x80, s23, s30, $0x2000b8;
	[tilespmem:$0x1F480] =	vst v63  }
0xe4: {  	p4 =	sle.s32 s21, $0x2;
	p2 =	sne.s32 s26, $0x0;
	_ =	swait.ge @!p0 [sflag:s22], $0x2000  }
.Ltmp5:
0xe5: {  	p3 =	por @!p4 $0x0, $0x0;
	[sflag:s22] =	ssyncset.done @!p0 $0x0;
	(pc) =	sbr.rel @!p2 .LBB2_9-.Ltmp5, $4  }
0xe6: {  	s25 =	simm.s32 $0x3;
	s24 =	simm.s32 @!p0 $0x7680;
	[sflag:s22] =	ssyncadd.s32 @!p0 $0xFFFFE000  }
0xe7: {  	[spmem:s3] =	stream.indirect.scatter.add.f32 @!p0 [tilespmem:s2], [sflag:$0x6], $0x80, s24, s28, $0x2000b8;
	[tilespmem:$0x1F480] =	vst v63  }
0xe8: {  	s23 =	simm.s32 $0x2820;
	s22 =	simm.s32 $0xC0;
	s2 =	simm.s32 @!p1 $0x5  }
0xe9: {  	s24 =	simm.s32 $0xA0;
	p0 =	por $0x1, $0x1;
	_ =	swait.ge @!p1 [sflag:s2], $0x2000  }
.LBB2_8:
0xea: {  	s26 =	sadd.s32 $0xFFFFFFFF, s26;
	p5 =	por p3, p4;
	[sflag:s2] =	ssyncset.done @!p1 $0x0  }
0xeb: {  	s28 =	simm.s32 @!p5 $0x6;
	[sflag:s2] =	ssyncadd.s32 @!p1 $0xFFFFE000;
	s2 =	simm.s32 @!p1 $0x7780  }
0xec: {  	[spmem:s3] =	stream.indirect.scatter.add.f32 @!p1 [tilespmem:s31], [sflag:$0x7], $0x80, s2, s30, $0x2000b8;
	[tilespmem:$0x1F480] =	vst v63  }
0xed: {  	p3 =	por p4, p4;
	p2 =	sne.s32 s26, $0x0;
	_ =	swait.ge @!p5 [sflag:s28], $0x2000  }
0xee: {  	[sflag:s28] =	ssyncset.done @!p5 $0x0  }
0xef: {  	[sflag:s28] =	ssyncadd.s32 @!p5 $0xFFFFE000  }
0xf0: {  	v3 =	vld @!p3 [tilespmem:s23+$0xFFFFFFE0];
	_ =	sdelay $0x4  }
0xf1: {  	[tilespmem:$0x7700] =	vst @!p3 v3  }
0xf2: {  	v3 =	vld @!p3 [tilespmem:s24+$0xFFFFFFE0];
	_ =	sdelay $0x4  }
0xf3: {  	[tilespmem:$0x7680] =	vst @!p3 v3  }
0xf4: {  	v3 =	vld @!p3 [tilespmem:s23+$0xFFFFFFF0];
	_ =	sdelay $0x4  }
0xf5: {  	[tilespmem:$0x7710] =	vst @!p3 v3  }
0xf6: {  	v3 =	vld @!p3 [tilespmem:s24+$0xFFFFFFF0];
	_ =	sdelay $0x4  }
0xf7: {  	[tilespmem:$0x7690] =	vst @!p3 v3  }
0xf8: {  	v3 =	vld @!p3 [tilespmem:s23+$0x0];
	_ =	sdelay $0x4  }
0xf9: {  	[tilespmem:$0x7720] =	vst @!p3 v3  }
0xfa: {  	v3 =	vld @!p3 [tilespmem:s24+$0x0];
	_ =	sdelay $0x4  }
0xfb: {  	[tilespmem:$0x76A0] =	vst @!p3 v3  }
0xfc: {  	v3 =	vld @!p3 [tilespmem:s23+$0x10];
	_ =	sdelay $0x4  }
0xfd: {  	[tilespmem:$0x7730] =	vst @!p3 v3  }
0xfe: {  	v3 =	vld @!p3 [tilespmem:s24+$0x10];
	_ =	sdelay $0x2  }
0xff: {  	p1 =	sge.s32 s25, s21  }
0x100: {  	p4 =	seq.s32 @!p1 s25, $0x1;
	s28 =	simm.s32 @!p3 $0x7880  }
0x101: {  	s29 =	simm.s32 @!p3 $0x40;
	s2 =	simm.s32 @!p3 $0x7700;
	p4 =	por p4, p1;
	[tilespmem:$0x76B0] =	vst @!p3 v3  }
0x102: {  	[tilespmem:s28], [sflag:$0x4] =	stream.indirect.gather @!p3 [hbm4b:s1+s29], $0x80, s2, s29, $0x2000b8;
	[tilespmem:$0x1F480] =	vst v63  }
0x103: {  	s2 =	simm.s32 @!p4 $0x7  }
0x104: {  	_ =	swait.ge @!p4 [sflag:s2], $0x2000  }
0x105: {  	[sflag:s2] =	ssyncset.done @!p4 $0x0  }
0x106: {  	[sflag:s2] =	ssyncadd.s32 @!p4 $0xFFFFE000  }
0x107: {  	v3 =	vld @!p1 [tilespmem:s23+$0x20];
	_ =	sdelay $0x4  }
0x108: {  	[tilespmem:$0x7800] =	vst @!p1 v3  }
0x109: {  	v3 =	vld @!p1 [tilespmem:s24+$0x20];
	_ =	sdelay $0x4  }
0x10a: {  	s2 =	sor.u32 @!p1 $0x50, s22;
	[tilespmem:$0x7780] =	vst @!p1 v3  }
0x10b: {  	v3 =	vld @!p1 [tilespmem:s2+$0x2780];
	_ =	sdelay $0x4  }
0x10c: {  	[tilespmem:$0x7810] =	vst @!p1 v3  }
0x10d: {  	v3 =	vld @!p1 [tilespmem:s2+$0x0];
	_ =	sdelay $0x4  }
0x10e: {  	s2 =	sor.u32 @!p1 $0x60, s22;
	[tilespmem:$0x7790] =	vst @!p1 v3  }
0x10f: {  	v3 =	vld @!p1 [tilespmem:s2+$0x2780];
	_ =	sdelay $0x4  }
0x110: {  	[tilespmem:$0x7820] =	vst @!p1 v3  }
0x111: {  	v3 =	vld @!p1 [tilespmem:s2+$0x0];
	_ =	sdelay $0x4  }
0x112: {  	s2 =	sor.u32 @!p1 $0x70, s22;
	[tilespmem:$0x77A0] =	vst @!p1 v3  }
0x113: {  	v3 =	vld @!p1 [tilespmem:s2+$0x2780];
	_ =	sdelay $0x4  }
0x114: {  	[tilespmem:$0x7830] =	vst @!p1 v3  }
0x115: {  	v3 =	vld @!p1 [tilespmem:s2+$0x0];
	_ =	sdelay $0x3  }
0x116: {  	s30 =	simm.s32 @!p1 $0x40;
	s23 =	sadd.s32 $0x80, s23;
	s2 =	simm.s32 @!p3 $0x4  }
0x117: {  	s0 =	simm.s32 @!p1 $0x7800;
	s31 =	simm.s32 @!p1 $0x9880;
	s25 =	sadd.s32 $0x2, s25;
	[tilespmem:$0x77B0] =	vst @!p1 v3  }
0x118: {  	[tilespmem:s31], [sflag:$0x5] =	stream.indirect.gather @!p1 [hbm4b:s1+s30], $0x80, s0, s30, $0x2000b8;
	[tilespmem:$0x1F480] =	vst v63  }
.Ltmp6:
0x119: {  	s24 =	sadd.s32 $0x80, s24;
	_ =	swait.ge @!p3 [sflag:s2], $0x2000;
	(pc) =	sbr.rel @p2 .LBB2_8-.Ltmp6, $4  }
0x11a: {  	s19 =	simm.s32 @!p3 $0x7680;
	s0 =	sadd.s32 $0xFFFFFFFF, s25;
	[sflag:s2] =	ssyncset.done @!p3 $0x0  }
0x11b: {  	p4 =	sge.s32 s0, s21;
	[sflag:s2] =	ssyncadd.s32 @!p3 $0xFFFFE000;
	s2 =	simm.s32 @!p1 $0x5  }
0x11c: {  	[spmem:s3] =	stream.indirect.scatter.add.f32 @!p3 [tilespmem:s28], [sflag:$0x6], $0x80, s19, s29, $0x2000b8;
	[tilespmem:$0x1F480] =	vst v63  }
0x11d: {  	s22 =	sadd.s32 $0x80, s22;
	p3 =	seq.s32 @!p4 s25, $0x1;
	_ =	swait.ge @!p1 [sflag:s2], $0x2000  }
.LBB2_9:
0x11e: {  	p0 =	por p1, !p0  }
0x11f: {  	p1 =	por p3, p4;
	[sflag:s2] =	ssyncset.done @!p0 $0x0  }
0x120: {  	s0 =	simm.s32 @!p1 $0x6;
	[sflag:s2] =	ssyncadd.s32 @!p0 $0xFFFFE000;
	s2 =	simm.s32 @!p0 $0x7780  }
0x121: {  	[spmem:s3] =	stream.indirect.scatter.add.f32 @!p0 [tilespmem:s31], [sflag:$0x7], $0x80, s2, s30, $0x2000b8;
	[tilespmem:$0x1F480] =	vst v63  }
0x122: {  	_ =	swait.ge @!p1 [sflag:s0], $0x2000  }
0x123: {  	[sflag:s0] =	ssyncset.done @!p1 $0x0  }
0x124: {  	p0 =	por p4, p4;
	[sflag:s0] =	ssyncadd.s32 @!p1 $0xFFFFE000  }
0x125: {  	v3 =	vld @!p0 [tilespmem:s23+$0xFFFFFFE0];
	_ =	sdelay $0x4  }
0x126: {  	[tilespmem:$0x7700] =	vst @!p0 v3  }
0x127: {  	v3 =	vld @!p0 [tilespmem:s24+$0xFFFFFFE0];
	_ =	sdelay $0x4  }
0x128: {  	[tilespmem:$0x7680] =	vst @!p0 v3  }
0x129: {  	v3 =	vld @!p0 [tilespmem:s23+$0xFFFFFFF0];
	_ =	sdelay $0x4  }
0x12a: {  	[tilespmem:$0x7710] =	vst @!p0 v3  }
0x12b: {  	v3 =	vld @!p0 [tilespmem:s24+$0xFFFFFFF0];
	_ =	sdelay $0x4  }
0x12c: {  	[tilespmem:$0x7690] =	vst @!p0 v3  }
0x12d: {  	v3 =	vld @!p0 [tilespmem:s23+$0x0];
	_ =	sdelay $0x4  }
0x12e: {  	[tilespmem:$0x7720] =	vst @!p0 v3  }
0x12f: {  	v3 =	vld @!p0 [tilespmem:s24+$0x0];
	_ =	sdelay $0x4  }
0x130: {  	[tilespmem:$0x76A0] =	vst @!p0 v3  }
0x131: {  	v3 =	vld @!p0 [tilespmem:s23+$0x10];
	_ =	sdelay $0x4  }
0x132: {  	[tilespmem:$0x7730] =	vst @!p0 v3  }
0x133: {  	v3 =	vld @!p0 [tilespmem:s24+$0x10];
	_ =	sdelay $0x2  }
0x134: {  	p1 =	sge.s32 s25, s21  }
0x135: {  	s2 =	simm.s32 @!p0 $0x40;
	p2 =	seq.s32 @!p1 s25, $0x1  }
0x136: {  	s19 =	simm.s32 @!p0 $0x7700;
	s0 =	simm.s32 @!p0 $0x7880;
	p2 =	por p2, p1;
	[tilespmem:$0x76B0] =	vst @!p0 v3  }
0x137: {  	[tilespmem:s0], [sflag:$0x4] =	stream.indirect.gather @!p0 [hbm4b:s1+s2], $0x80, s19, s2, $0x2000b8;
	[tilespmem:$0x1F480] =	vst v63  }
0x138: {  	s19 =	simm.s32 @!p2 $0x7  }
0x139: {  	_ =	swait.ge @!p2 [sflag:s19], $0x2000  }
0x13a: {  	[sflag:s19] =	ssyncset.done @!p2 $0x0  }
0x13b: {  	[sflag:s19] =	ssyncadd.s32 @!p2 $0xFFFFE000  }
0x13c: {  	v3 =	vld @!p1 [tilespmem:s23+$0x20];
	_ =	sdelay $0x4  }
0x13d: {  	[tilespmem:$0x7800] =	vst @!p1 v3  }
0x13e: {  	v3 =	vld @!p1 [tilespmem:s24+$0x20];
	_ =	sdelay $0x4  }
0x13f: {  	s19 =	sor.u32 @!p1 $0x50, s22;
	[tilespmem:$0x7780] =	vst @!p1 v3  }
0x140: {  	v3 =	vld @!p1 [tilespmem:s19+$0x2780];
	_ =	sdelay $0x4  }
0x141: {  	[tilespmem:$0x7810] =	vst @!p1 v3  }
0x142: {  	v3 =	vld @!p1 [tilespmem:s19+$0x0];
	_ =	sdelay $0x4  }
0x143: {  	s19 =	sor.u32 @!p1 $0x60, s22;
	[tilespmem:$0x7790] =	vst @!p1 v3  }
0x144: {  	v3 =	vld @!p1 [tilespmem:s19+$0x2780];
	_ =	sdelay $0x4  }
0x145: {  	[tilespmem:$0x7820] =	vst @!p1 v3  }
0x146: {  	v3 =	vld @!p1 [tilespmem:s19+$0x0];
	_ =	sdelay $0x4  }
0x147: {  	s19 =	sor.u32 @!p1 $0x70, s22;
	[tilespmem:$0x77A0] =	vst @!p1 v3  }
0x148: {  	v3 =	vld @!p1 [tilespmem:s19+$0x2780];
	_ =	sdelay $0x4  }
0x149: {  	[tilespmem:$0x7830] =	vst @!p1 v3  }
0x14a: {  	v3 =	vld @!p1 [tilespmem:s19+$0x0];
	_ =	sdelay $0x3  }
0x14b: {  	s23 =	simm.s32 @!p1 $0x7800  }
0x14c: {  	s24 =	simm.s32 @!p1 $0x9880;
	s22 =	simm.s32 @!p1 $0x40;
	s19 =	simm.s32 @!p0 $0x4;
	[tilespmem:$0x77B0] =	vst @!p1 v3  }
0x14d: {  	[tilespmem:s24], [sflag:$0x5] =	stream.indirect.gather @!p1 [hbm4b:s1+s22], $0x80, s23, s22, $0x2000b8;
	[tilespmem:$0x1F480] =	vst v63  }
0x14e: {  	_ =	swait.ge @!p0 [sflag:s19], $0x2000  }
0x14f: {  	[sflag:s19] =	ssyncset.done @!p0 $0x0  }
0x150: {  	s23 =	simm.s32 @!p0 $0x7680;
	[sflag:s19] =	ssyncadd.s32 @!p0 $0xFFFFE000;
	s19 =	simm.s32 @!p1 $0x5  }
0x151: {  	[spmem:s3] =	stream.indirect.scatter.add.f32 @!p0 [tilespmem:s0], [sflag:$0x6], $0x80, s23, s2, $0x2000b8;
	[tilespmem:$0x1F480] =	vst v63  }
0x152: {  	_ =	swait.ge @!p1 [sflag:s19], $0x2000  }
0x153: {  	[sflag:s19] =	ssyncset.done @!p1 $0x0  }
0x154: {  	s0 =	simm.s32 @!p1 $0x7780;
	[sflag:s19] =	ssyncadd.s32 @!p1 $0xFFFFE000  }
0x155: {  	[spmem:s3] =	stream.indirect.scatter.add.f32 @!p1 [tilespmem:s24], [sflag:$0x7], $0x80, s0, s22, $0x2000b8;
	[tilespmem:$0x1F480] =	vst v63  }
0x156: {  	_ =	strace $0x9000004B  }
0x157: {  	s31 =	simm.s32 $0x6;
	_ =	strace $0x8000004C  }
0x158: {  	_ =	swait.ge [sflag:s31], $0x2000  }
.Ltmp7:
0x159: {  	p0 =	seq.s32 s21, $0x1;
	[sflag:s31] =	ssyncset.done $0x0;
	(pc) =	sbr.rel .LBB2_10-.Ltmp7, $4  }
0x15a: {  	s0 =	simm.s32 @!p0 $0x7;
	[sflag:s31] =	ssyncadd.s32 $0xFFFFE000  }
0x15b: {  	_ =	swait.ge @!p0 [sflag:s0], $0x2000  }
0x15c: {  	[sflag:s0] =	ssyncset.done @!p0 $0x0  }
0x15d: {  	[sflag:s0] =	ssyncadd.s32 @!p0 $0xFFFFE000  }
.LBB2_6:
.Ltmp8:
0x15e: {  	(pc) =	sbr.rel .LBB2_9-.Ltmp8, $2  }
0x15f: {  	_ =	sdelay $0x2  }
0x160: {  	_ = 	snop  }
.LBB2_11:
0x161: {  	_ =	sfence.sel $0x180000  }
0x162: {  	[bflag:$0x0] =	sbarrier.arrive $0xFFFF  }
0x163: {  	_ =	strace $0x90000047  }
0x164: {  	s0 =	stileid.u32;
	[bflag:$0x2] =	sbarrier.arrive $0xFFFF  }
0x165: {  	p0 =	sne.s32 s0, $0x0;
	s0 =	rddreg [dreg:$0x3]  }
0x166: {  	s0 =	sadd.s32 @!p0 $0x100000, s0  }
0x167: {  	[sflag:s0] =	ssyncadd.tile.s32 @!p0 $0x1;
	_ =	shalt  }
.Lfunc_end2:
_tile_overlayer_lowered:
.L_overlay_start_2:
0x168: {  	(tag) =	ssettag $0x2  }
0x169: {  	s0 =	rddreg [dreg:$0x0];
	s2 =	stileid.u32  }
0x16a: {  	s1 =	rddreg [dreg:$0x1];
	p0 =	sne.s32 s2, $0x0  }
0x16b: {  	s3 =	rddreg [dreg:$0x2];
	[bflag:$0x3] =	sbarrier.arrive $0xFFFF;
	s2 =	simm.s32 @!p0 $0x1C08  }
0x16c: {  	[timem:s3], [sflag:s2] =	dma.local @!p0 [hbm:s0], s1  }
0x16d: {  	s0 =	simm.s32 @!p0 $0x8  }
0x16e: {  	_ =	swait.ge @!p0 [sflag:s0], s1  }
0x16f: {  	s1 =	ssub.s32 @!p0 $0x0, s1;
	[sflag:s0] =	ssyncset.done @!p0 $0x0  }
0x170: {  	[sflag:s0] =	ssyncadd.s32 @!p0 s1  }
0x171: {  	[bflag:$0x3] =	sbarrier.arrive $0xFFFF  }
0x172: {  	_ =	shalt  }

</sc_bundles>
